<compile_context>
chip_gen: v7x
topology: tpu7x:2x2x1
jax: 0.10.2.dev20260603
libtpu: 0.0.44.dev20260713+nightly
codegen_flags: <defaults>
</compile_context>

<pallas_src>
import functools

import jax
import jax.numpy as jnp
from jax import lax
from jax.experimental import pallas as pl
from jax.experimental.pallas import tpu as pltpu
from jax.experimental.pallas import tpu_sc as plsc

NC = 2
NS = 16
NW = NC * NS
LANES = 16


def _sc_avg_embed(x, table, b, l):
  d = table.shape[1]
  n_dreg = d // LANES
  bpt = b // NW
  assert b % NW == 0 and bpt <= 128 and bpt % LANES == 0
  assert l % 2 == 0 and d % LANES == 0
  half = (l + 1) // 2
  assert half <= 128
  scale = 1.0 / b
  mesh = plsc.VectorSubcoreMesh(core_axis_name="c", subcore_axis_name="s")

  @functools.partial(
      pl.kernel,
      mesh=mesh,
      out_type=jax.ShapeDtypeStruct((NC, l, d), jnp.float32),
      scratch_types=[
          pltpu.VMEM((bpt * l,), jnp.int32),
          pltpu.VMEM((l, bpt), jnp.int32),
          pltpu.VMEM((2 * bpt, d), jnp.float32),
          pltpu.VMEM((l, d), jnp.float32),
          pltpu.VMEM((2, half), jnp.int32),
          pltpu.VMEM_SHARED((l, d), jnp.float32),
          pltpu.SemaphoreType.DMA,
          pltpu.SemaphoreType.DMA,
      ],
      compiler_params=pltpu.CompilerParams(use_tc_tiling_on_sc=False,
                                           needs_layout_passes=False),
  )
  def body(x_hbm, table_hbm, out_hbm, xblk_v, xt_v, rows_v, stage_v, iref_v,
           shacc, sem0, sem1):
    cid = lax.axis_index("c")
    sid = lax.axis_index("s")
    wid = sid * NC + cid
    iota = lax.iota(jnp.int32, LANES)
    sems = (sem0, sem1)

    pltpu.sync_copy(x_hbm.at[pl.ds(wid * bpt * l, bpt * l)], xblk_v)

    starts = sorted({min(16 * k, half - LANES) for k in range(half // LANES + 1)})
    for r in range(2):
      for st in starts:
        iref_v[r, pl.ds(st, LANES)] = iota + (half * r + st)

    iota_l = iota * l
    def tr_body(j, _):
      for k in range(bpt // LANES):
        xt_v[j, pl.ds(k * LANES, LANES)] = plsc.load_gather(
            xblk_v, [iota_l + (k * LANES * l + j)])
      return 0

    lax.fori_loop(0, l, tr_body, 0)

    def fire(j, parity):
      pltpu.async_copy(
          table_hbm.at[xt_v.at[j]],
          rows_v.at[pl.ds(parity * bpt, bpt)],
          sems[parity],
      )

    def do_col(j, parity):
      base = parity * bpt

      @pl.when(j + 1 < l)
      def _fire_next():
        fire(j + 1, 1 - parity)

      pltpu.make_async_copy(
          table_hbm.at[pl.ds(0, bpt)],
          rows_v.at[pl.ds(base, bpt)],
          sems[parity],
      ).wait()

      def row_body(i, carry):
        return tuple(
            carry[r] + rows_v[base + i, pl.ds(r * LANES, LANES)]
            for r in range(n_dreg)
        )

      zeros = tuple(jnp.zeros((LANES,), jnp.float32) for _ in range(n_dreg))
      acc = lax.fori_loop(0, bpt, row_body, zeros, unroll=8)
      for r in range(n_dreg):
        stage_v[j, pl.ds(r * LANES, LANES)] = acc[r] * scale

    fire(0, 0)

    def pair_body(rp, _):
      do_col(2 * rp, 0)
      do_col(2 * rp + 1, 1)
      return 0

    lax.fori_loop(0, l // 2, pair_body, 0)

    @pl.when(sid == 0)
    def _init():
      pltpu.sync_copy(stage_v, shacc)

    plsc.subcore_barrier()

    @pl.when(sid != 0)
    def _reduce():
      pltpu.sync_copy(stage_v.at[pl.ds(0, half)], shacc.at[iref_v.at[0]],
                      add=True)
      pltpu.sync_copy(stage_v.at[pl.ds(half, l - half)],
                      shacc.at[iref_v.at[1]], add=True)

    plsc.subcore_barrier()

    @pl.when(sid == 0)
    def _writeout():
      pltpu.sync_copy(shacc, out_hbm.at[cid])

  return body(x, table)


def kernel(x, table):
  b, l = x.shape
  partials = _sc_avg_embed(x.astype(jnp.int32).reshape(-1), table, b, l)
  return partials[0] + partials[1]

# --- scband reference (transcript-rebuilt; emitter-appended) ---
"""Pipeline reference for scband-avg-word-embeddings-55783035241131 (READ-ONLY COPY).

The authoritative reference and input builder live on the scoring server;
editing this copy changes nothing except your own understanding.
"""

import jax, jax.numpy as jnp
import numpy as np

VOCAB = 100000
EMBED_DIM = 64
BATCH = 4096
HIST_LEN = 200

def setup_inputs(seed: int = 0) -> dict:
    key = jax.random.key(seed)
    k1, k2 = jax.random.split(key)
    x = jax.random.randint(k1, (BATCH, HIST_LEN), 0, VOCAB, dtype=jnp.int64 if jax.config.jax_enable_x64 else jnp.int32)
    table = jax.random.normal(k2, (VOCAB, EMBED_DIM), dtype=jnp.float32)
    return {"x": x, "table": table}

def reference(x, table):
    # emb = self.embedding(x)  -> gather rows from pretrained table
    emb = jnp.take(table, x, axis=0)          # [B, L, D]
    # torch.mean(emb, axis=0)  -> reduce over leading (batch) axis
    return jnp.mean(emb, axis=0)               # [L, D]

if __name__ == "__main__":
    import jax
    _d = setup_inputs()
    print(jax.jit(kernel)(*tuple(_d.values())))

</pallas_src>

<mosaic_0001>
#map = affine_map<(d0, d1) -> (0)>
#map1 = affine_map<(d0, d1) -> (0, 0)>
#map2 = affine_map<(d0, d1) -> (0, 0, 0)>
module attributes {stable_mosaic.version = 14 : i64} {
  func.func @body(%arg0: i32, %arg1: i32, %arg2: memref<819200xi32, #tpu.memory_space<hbm>>, %arg3: memref<100000x64xf32, #tpu.memory_space<hbm>>, %arg4: memref<2x200x64xf32, #tpu.memory_space<hbm>>, %arg5: memref<25600xi32, #tpu.memory_space<vmem>>, %arg6: memref<200x128xi32, #tpu.memory_space<vmem>>, %arg7: memref<256x64xf32, #tpu.memory_space<vmem>>, %arg8: memref<200x64xf32, #tpu.memory_space<vmem>>, %arg9: memref<2x100xi32, #tpu.memory_space<vmem>>, %arg10: memref<200x64xf32, #tpu.memory_space<vmem_shared>>, %arg11: memref<!tpu.dma_semaphore, #tpu.memory_space<semaphore_mem>>, %arg12: memref<!tpu.dma_semaphore, #tpu.memory_space<semaphore_mem>>) attributes {dimension_semantics = [#tpu.dimension_semantics<core_parallel>, #tpu.dimension_semantics<subcore_parallel>], iteration_bounds = array<i64: 2, 16>, scalar_prefetch = 0 : i64, scratch_operands = 8 : i64, tpu.core_type = #tpu.core_type<sc_vector_subcore>, window_params = [{transform_indices = #map}, {transform_indices = #map1}, {transform_indices = #map2}]} {
    %mul3A = arith.constant 2 : i32
    %mul3A_0 = arith.muli %arg1, %mul3A : i32
    %add3A = arith.addi %mul3A_0, %arg0 : i32
    %iota3A = tpu.iota {dimensions = array<i32: 0>} : vector<16xi32>
    %mul3A_1 = arith.constant 128 : i32
    %mul3A_2 = arith.muli %add3A, %mul3A_1 : i32
    %mul3A_3 = arith.constant 200 : i32
    %mul3A_4 = arith.muli %mul3A_2, %mul3A_3 : i32
    "tpu.region"() ({
      %run_scoped3A = tpu.sem_alloc : memref<!tpu.dma_semaphore, #tpu.memory_space<semaphore_mem>>
      %dma_start3A_139 = tpu.memref_slice %arg2[%mul3A_4] : memref<819200xi32, #tpu.memory_space<hbm>> -> memref<25600xi32, #tpu.memory_space<hbm>>
      %dma_start3A_140 = tpu.memref_slice %arg2[%mul3A_4] : memref<819200xi32, #tpu.memory_space<hbm>> -> memref<25600xi32, #tpu.memory_space<hbm>>
      tpu.enqueue_dma source(%dma_start3A_140 : memref<25600xi32, #tpu.memory_space<hbm>>) target(%arg5 : memref<25600xi32, #tpu.memory_space<vmem>>) target_semaphore(%run_scoped3A : memref<!tpu.dma_semaphore, #tpu.memory_space<semaphore_mem>>)
      %dma_wait3A = tpu.memref_slice %arg2[%mul3A_4] : memref<819200xi32, #tpu.memory_space<hbm>> -> memref<25600xi32, #tpu.memory_space<hbm>>
      %dma_wait3A_141 = tpu.memref_slice %arg2[%mul3A_4] : memref<819200xi32, #tpu.memory_space<hbm>> -> memref<25600xi32, #tpu.memory_space<hbm>>
      tpu.wait_dma2 semaphore(%run_scoped3A : memref<!tpu.dma_semaphore, #tpu.memory_space<semaphore_mem>>) src(%dma_wait3A_141 : memref<25600xi32, #tpu.memory_space<hbm>>) dst(%arg5 : memref<25600xi32, #tpu.memory_space<vmem>>)
      tpu.yield
    }) : () -> ()
    %add3A_5 = arith.constant 0 : i32
    %add3A_6 = vector.broadcast %add3A_5 : i32 to vector<16xi32>
    %add3A_7 = arith.addi %iota3A, %add3A_6 : vector<16xi32>
    %swap3A = arith.constant 0 : i32
    %swap3A_8 = arith.index_cast %swap3A : i32 to index
    %swap3A_9 = arith.constant 0 : index
    %swap3A_10 = tpu.vector_load %arg9[%swap3A_8, %swap3A_9] {strides = array<i32>} : memref<2x100xi32, #tpu.memory_space<vmem>>, vector<16xi32>,
    tpu.vector_store %arg9[%swap3A_8, %swap3A_9], %add3A_7 {strides = array<i32>} : memref<2x100xi32, #tpu.memory_space<vmem>>, vector<16xi32>,
    %add3A_11 = arith.constant 16 : i32
    %add3A_12 = vector.broadcast %add3A_11 : i32 to vector<16xi32>
    %add3A_13 = arith.addi %iota3A, %add3A_12 : vector<16xi32>
    %swap3A_14 = arith.constant 0 : i32
    %swap3A_15 = arith.index_cast %swap3A_14 : i32 to index
    %swap3A_16 = arith.constant 16 : index
    %swap3A_17 = tpu.vector_load %arg9[%swap3A_15, %swap3A_16] {strides = array<i32>} : memref<2x100xi32, #tpu.memory_space<vmem>>, vector<16xi32>,
    tpu.vector_store %arg9[%swap3A_15, %swap3A_16], %add3A_13 {strides = array<i32>} : memref<2x100xi32, #tpu.memory_space<vmem>>, vector<16xi32>,
    %add3A_18 = arith.constant 32 : i32
    %add3A_19 = vector.broadcast %add3A_18 : i32 to vector<16xi32>
    %add3A_20 = arith.addi %iota3A, %add3A_19 : vector<16xi32>
    %swap3A_21 = arith.constant 0 : i32
    %swap3A_22 = arith.index_cast %swap3A_21 : i32 to index
    %swap3A_23 = arith.constant 32 : index
    %swap3A_24 = tpu.vector_load %arg9[%swap3A_22, %swap3A_23] {strides = array<i32>} : memref<2x100xi32, #tpu.memory_space<vmem>>, vector<16xi32>,
    tpu.vector_store %arg9[%swap3A_22, %swap3A_23], %add3A_20 {strides = array<i32>} : memref<2x100xi32, #tpu.memory_space<vmem>>, vector<16xi32>,
    %add3A_25 = arith.constant 48 : i32
    %add3A_26 = vector.broadcast %add3A_25 : i32 to vector<16xi32>
    %add3A_27 = arith.addi %iota3A, %add3A_26 : vector<16xi32>
    %swap3A_28 = arith.constant 0 : i32
    %swap3A_29 = arith.index_cast %swap3A_28 : i32 to index
    %swap3A_30 = arith.constant 48 : index
    %swap3A_31 = tpu.vector_load %arg9[%swap3A_29, %swap3A_30] {strides = array<i32>} : memref<2x100xi32, #tpu.memory_space<vmem>>, vector<16xi32>,
    tpu.vector_store %arg9[%swap3A_29, %swap3A_30], %add3A_27 {strides = array<i32>} : memref<2x100xi32, #tpu.memory_space<vmem>>, vector<16xi32>,
    %add3A_32 = arith.constant 64 : i32
    %add3A_33 = vector.broadcast %add3A_32 : i32 to vector<16xi32>
    %add3A_34 = arith.addi %iota3A, %add3A_33 : vector<16xi32>
    %swap3A_35 = arith.constant 0 : i32
    %swap3A_36 = arith.index_cast %swap3A_35 : i32 to index
    %swap3A_37 = arith.constant 64 : index
    %swap3A_38 = tpu.vector_load %arg9[%swap3A_36, %swap3A_37] {strides = array<i32>} : memref<2x100xi32, #tpu.memory_space<vmem>>, vector<16xi32>,
    tpu.vector_store %arg9[%swap3A_36, %swap3A_37], %add3A_34 {strides = array<i32>} : memref<2x100xi32, #tpu.memory_space<vmem>>, vector<16xi32>,
    %add3A_39 = arith.constant 80 : i32
    %add3A_40 = vector.broadcast %add3A_39 : i32 to vector<16xi32>
    %add3A_41 = arith.addi %iota3A, %add3A_40 : vector<16xi32>
    %swap3A_42 = arith.constant 0 : i32
    %swap3A_43 = arith.index_cast %swap3A_42 : i32 to index
    %swap3A_44 = arith.constant 80 : index
    %swap3A_45 = tpu.vector_load %arg9[%swap3A_43, %swap3A_44] {strides = array<i32>} : memref<2x100xi32, #tpu.memory_space<vmem>>, vector<16xi32>,
    tpu.vector_store %arg9[%swap3A_43, %swap3A_44], %add3A_41 {strides = array<i32>} : memref<2x100xi32, #tpu.memory_space<vmem>>, vector<16xi32>,
    %add3A_46 = arith.constant 84 : i32
    %add3A_47 = vector.broadcast %add3A_46 : i32 to vector<16xi32>
    %add3A_48 = arith.addi %iota3A, %add3A_47 : vector<16xi32>
    %swap3A_49 = arith.constant 0 : i32
    %swap3A_50 = arith.index_cast %swap3A_49 : i32 to index
    %swap3A_51 = arith.constant 84 : index
    %swap3A_52 = tpu.vector_load %arg9[%swap3A_50, %swap3A_51] {strides = array<i32>} : memref<2x100xi32, #tpu.memory_space<vmem>>, vector<16xi32>,
    tpu.vector_store %arg9[%swap3A_50, %swap3A_51], %add3A_48 {strides = array<i32>} : memref<2x100xi32, #tpu.memory_space<vmem>>, vector<16xi32>,
    %add3A_53 = arith.constant 100 : i32
    %add3A_54 = vector.broadcast %add3A_53 : i32 to vector<16xi32>
    %add3A_55 = arith.addi %iota3A, %add3A_54 : vector<16xi32>
    %swap3A_56 = arith.constant 1 : i32
    %swap3A_57 = arith.index_cast %swap3A_56 : i32 to index
    %swap3A_58 = arith.constant 0 : index
    %swap3A_59 = tpu.vector_load %arg9[%swap3A_57, %swap3A_58] {strides = array<i32>} : memref<2x100xi32, #tpu.memory_space<vmem>>, vector<16xi32>,
    tpu.vector_store %arg9[%swap3A_57, %swap3A_58], %add3A_55 {strides = array<i32>} : memref<2x100xi32, #tpu.memory_space<vmem>>, vector<16xi32>,
    %add3A_60 = arith.constant 116 : i32
    %add3A_61 = vector.broadcast %add3A_60 : i32 to vector<16xi32>
    %add3A_62 = arith.addi %iota3A, %add3A_61 : vector<16xi32>
    %swap3A_63 = arith.constant 1 : i32
    %swap3A_64 = arith.index_cast %swap3A_63 : i32 to index
    %swap3A_65 = arith.constant 16 : index
    %swap3A_66 = tpu.vector_load %arg9[%swap3A_64, %swap3A_65] {strides = array<i32>} : memref<2x100xi32, #tpu.memory_space<vmem>>, vector<16xi32>,
    tpu.vector_store %arg9[%swap3A_64, %swap3A_65], %add3A_62 {strides = array<i32>} : memref<2x100xi32, #tpu.memory_space<vmem>>, vector<16xi32>,
    %add3A_67 = arith.constant 132 : i32
    %add3A_68 = vector.broadcast %add3A_67 : i32 to vector<16xi32>
    %add3A_69 = arith.addi %iota3A, %add3A_68 : vector<16xi32>
    %swap3A_70 = arith.constant 1 : i32
    %swap3A_71 = arith.index_cast %swap3A_70 : i32 to index
    %swap3A_72 = arith.constant 32 : index
    %swap3A_73 = tpu.vector_load %arg9[%swap3A_71, %swap3A_72] {strides = array<i32>} : memref<2x100xi32, #tpu.memory_space<vmem>>, vector<16xi32>,
    tpu.vector_store %arg9[%swap3A_71, %swap3A_72], %add3A_69 {strides = array<i32>} : memref<2x100xi32, #tpu.memory_space<vmem>>, vector<16xi32>,
    %add3A_74 = arith.constant 148 : i32
    %add3A_75 = vector.broadcast %add3A_74 : i32 to vector<16xi32>
    %add3A_76 = arith.addi %iota3A, %add3A_75 : vector<16xi32>
    %swap3A_77 = arith.constant 1 : i32
    %swap3A_78 = arith.index_cast %swap3A_77 : i32 to index
    %swap3A_79 = arith.constant 48 : index
    %swap3A_80 = tpu.vector_load %arg9[%swap3A_78, %swap3A_79] {strides = array<i32>} : memref<2x100xi32, #tpu.memory_space<vmem>>, vector<16xi32>,
    tpu.vector_store %arg9[%swap3A_78, %swap3A_79], %add3A_76 {strides = array<i32>} : memref<2x100xi32, #tpu.memory_space<vmem>>, vector<16xi32>,
    %add3A_81 = arith.constant 164 : i32
    %add3A_82 = vector.broadcast %add3A_81 : i32 to vector<16xi32>
    %add3A_83 = arith.addi %iota3A, %add3A_82 : vector<16xi32>
    %swap3A_84 = arith.constant 1 : i32
    %swap3A_85 = arith.index_cast %swap3A_84 : i32 to index
    %swap3A_86 = arith.constant 64 : index
    %swap3A_87 = tpu.vector_load %arg9[%swap3A_85, %swap3A_86] {strides = array<i32>} : memref<2x100xi32, #tpu.memory_space<vmem>>, vector<16xi32>,
    tpu.vector_store %arg9[%swap3A_85, %swap3A_86], %add3A_83 {strides = array<i32>} : memref<2x100xi32, #tpu.memory_space<vmem>>, vector<16xi32>,
    %add3A_88 = arith.constant 180 : i32
    %add3A_89 = vector.broadcast %add3A_88 : i32 to vector<16xi32>
    %add3A_90 = arith.addi %iota3A, %add3A_89 : vector<16xi32>
    %swap3A_91 = arith.constant 1 : i32
    %swap3A_92 = arith.index_cast %swap3A_91 : i32 to index
    %swap3A_93 = arith.constant 80 : index
    %swap3A_94 = tpu.vector_load %arg9[%swap3A_92, %swap3A_93] {strides = array<i32>} : memref<2x100xi32, #tpu.memory_space<vmem>>, vector<16xi32>,
    tpu.vector_store %arg9[%swap3A_92, %swap3A_93], %add3A_90 {strides = array<i32>} : memref<2x100xi32, #tpu.memory_space<vmem>>, vector<16xi32>,
    %add3A_95 = arith.constant 184 : i32
    %add3A_96 = vector.broadcast %add3A_95 : i32 to vector<16xi32>
    %add3A_97 = arith.addi %iota3A, %add3A_96 : vector<16xi32>
    %swap3A_98 = arith.constant 1 : i32
    %swap3A_99 = arith.index_cast %swap3A_98 : i32 to index
    %swap3A_100 = arith.constant 84 : index
    %swap3A_101 = tpu.vector_load %arg9[%swap3A_99, %swap3A_100] {strides = array<i32>} : memref<2x100xi32, #tpu.memory_space<vmem>>, vector<16xi32>,
    tpu.vector_store %arg9[%swap3A_99, %swap3A_100], %add3A_97 {strides = array<i32>} : memref<2x100xi32, #tpu.memory_space<vmem>>, vector<16xi32>,
    %mul3A_102 = arith.constant 200 : i32
    %mul3A_103 = vector.broadcast %mul3A_102 : i32 to vector<16xi32>
    %mul3A_104 = arith.muli %iota3A, %mul3A_103 : vector<16xi32>
    %scan3A = arith.constant 0 : i32
    %scan3A_105 = arith.constant 0 : i32
    %scan3A_106 = arith.constant 200 : i32
    %scan3A_107 = arith.addi %scan3A_105, %scan3A_106 : i32
    %scan3A_108 = arith.constant 1 : i32
    %scan3A_109 = scf.for %scan3A_139 = %scan3A_105 to %scan3A_107 step %scan3A_108 iter_args(%scan3A_140 = %scan3A) -> (i32)  : i32 {
      %add3A_141 = arith.constant 0 : i32
      %add3A_142 = arith.addi %add3A_141, %scan3A_139 : i32
      %add3A_143 = vector.broadcast %add3A_142 : i32 to vector<16xi32>
      %add3A_144 = arith.addi %mul3A_104, %add3A_143 : vector<16xi32>
      %gather3A = tpu.vector_load_idx %arg5[%add3A_144] : memref<25600xi32, #tpu.memory_space<vmem>>[vector<16xi32>], vector<16xi32>,
      %swap3A_145 = arith.index_cast %scan3A_139 : i32 to index
      %swap3A_146 = arith.constant 0 : index
      %swap3A_147 = tpu.vector_load %arg6[%swap3A_145, %swap3A_146] {strides = array<i32>} : memref<200x128xi32, #tpu.memory_space<vmem>>, vector<16xi32>,
      tpu.vector_store %arg6[%swap3A_145, %swap3A_146], %gather3A {strides = array<i32>} : memref<200x128xi32, #tpu.memory_space<vmem>>, vector<16xi32>,
      %add3A_148 = arith.constant 3200 : i32
      %add3A_149 = arith.addi %add3A_148, %scan3A_139 : i32
      %add3A_150 = vector.broadcast %add3A_149 : i32 to vector<16xi32>
      %add3A_151 = arith.addi %mul3A_104, %add3A_150 : vector<16xi32>
      %gather3A_152 = tpu.vector_load_idx %arg5[%add3A_151] : memref<25600xi32, #tpu.memory_space<vmem>>[vector<16xi32>], vector<16xi32>,
      %swap3A_153 = arith.index_cast %scan3A_139 : i32 to index
      %swap3A_154 = arith.constant 16 : index
      %swap3A_155 = tpu.vector_load %arg6[%swap3A_153, %swap3A_154] {strides = array<i32>} : memref<200x128xi32, #tpu.memory_space<vmem>>, vector<16xi32>,
      tpu.vector_store %arg6[%swap3A_153, %swap3A_154], %gather3A_152 {strides = array<i32>} : memref<200x128xi32, #tpu.memory_space<vmem>>, vector<16xi32>,
      %add3A_156 = arith.constant 6400 : i32
      %add3A_157 = arith.addi %add3A_156, %scan3A_139 : i32
      %add3A_158 = vector.broadcast %add3A_157 : i32 to vector<16xi32>
      %add3A_159 = arith.addi %mul3A_104, %add3A_158 : vector<16xi32>
      %gather3A_160 = tpu.vector_load_idx %arg5[%add3A_159] : memref<25600xi32, #tpu.memory_space<vmem>>[vector<16xi32>], vector<16xi32>,
      %swap3A_161 = arith.index_cast %scan3A_139 : i32 to index
      %swap3A_162 = arith.constant 32 : index
      %swap3A_163 = tpu.vector_load %arg6[%swap3A_161, %swap3A_162] {strides = array<i32>} : memref<200x128xi32, #tpu.memory_space<vmem>>, vector<16xi32>,
      tpu.vector_store %arg6[%swap3A_161, %swap3A_162], %gather3A_160 {strides = array<i32>} : memref<200x128xi32, #tpu.memory_space<vmem>>, vector<16xi32>,
      %add3A_164 = arith.constant 9600 : i32
      %add3A_165 = arith.addi %add3A_164, %scan3A_139 : i32
      %add3A_166 = vector.broadcast %add3A_165 : i32 to vector<16xi32>
      %add3A_167 = arith.addi %mul3A_104, %add3A_166 : vector<16xi32>
      %gather3A_168 = tpu.vector_load_idx %arg5[%add3A_167] : memref<25600xi32, #tpu.memory_space<vmem>>[vector<16xi32>], vector<16xi32>,
      %swap3A_169 = arith.index_cast %scan3A_139 : i32 to index
      %swap3A_170 = arith.constant 48 : index
      %swap3A_171 = tpu.vector_load %arg6[%swap3A_169, %swap3A_170] {strides = array<i32>} : memref<200x128xi32, #tpu.memory_space<vmem>>, vector<16xi32>,
      tpu.vector_store %arg6[%swap3A_169, %swap3A_170], %gather3A_168 {strides = array<i32>} : memref<200x128xi32, #tpu.memory_space<vmem>>, vector<16xi32>,
      %add3A_172 = arith.constant 12800 : i32
      %add3A_173 = arith.addi %add3A_172, %scan3A_139 : i32
      %add3A_174 = vector.broadcast %add3A_173 : i32 to vector<16xi32>
      %add3A_175 = arith.addi %mul3A_104, %add3A_174 : vector<16xi32>
      %gather3A_176 = tpu.vector_load_idx %arg5[%add3A_175] : memref<25600xi32, #tpu.memory_space<vmem>>[vector<16xi32>], vector<16xi32>,
      %swap3A_177 = arith.index_cast %scan3A_139 : i32 to index
      %swap3A_178 = arith.constant 64 : index
      %swap3A_179 = tpu.vector_load %arg6[%swap3A_177, %swap3A_178] {strides = array<i32>} : memref<200x128xi32, #tpu.memory_space<vmem>>, vector<16xi32>,
      tpu.vector_store %arg6[%swap3A_177, %swap3A_178], %gather3A_176 {strides = array<i32>} : memref<200x128xi32, #tpu.memory_space<vmem>>, vector<16xi32>,
      %add3A_180 = arith.constant 16000 : i32
      %add3A_181 = arith.addi %add3A_180, %scan3A_139 : i32
      %add3A_182 = vector.broadcast %add3A_181 : i32 to vector<16xi32>
      %add3A_183 = arith.addi %mul3A_104, %add3A_182 : vector<16xi32>
      %gather3A_184 = tpu.vector_load_idx %arg5[%add3A_183] : memref<25600xi32, #tpu.memory_space<vmem>>[vector<16xi32>], vector<16xi32>,
      %swap3A_185 = arith.index_cast %scan3A_139 : i32 to index
      %swap3A_186 = arith.constant 80 : index
      %swap3A_187 = tpu.vector_load %arg6[%swap3A_185, %swap3A_186] {strides = array<i32>} : memref<200x128xi32, #tpu.memory_space<vmem>>, vector<16xi32>,
      tpu.vector_store %arg6[%swap3A_185, %swap3A_186], %gather3A_184 {strides = array<i32>} : memref<200x128xi32, #tpu.memory_space<vmem>>, vector<16xi32>,
      %add3A_188 = arith.constant 19200 : i32
      %add3A_189 = arith.addi %add3A_188, %scan3A_139 : i32
      %add3A_190 = vector.broadcast %add3A_189 : i32 to vector<16xi32>
      %add3A_191 = arith.addi %mul3A_104, %add3A_190 : vector<16xi32>
      %gather3A_192 = tpu.vector_load_idx %arg5[%add3A_191] : memref<25600xi32, #tpu.memory_space<vmem>>[vector<16xi32>], vector<16xi32>,
      %swap3A_193 = arith.index_cast %scan3A_139 : i32 to index
      %swap3A_194 = arith.constant 96 : index
      %swap3A_195 = tpu.vector_load %arg6[%swap3A_193, %swap3A_194] {strides = array<i32>} : memref<200x128xi32, #tpu.memory_space<vmem>>, vector<16xi32>,
      tpu.vector_store %arg6[%swap3A_193, %swap3A_194], %gather3A_192 {strides = array<i32>} : memref<200x128xi32, #tpu.memory_space<vmem>>, vector<16xi32>,
      %add3A_196 = arith.constant 22400 : i32
      %add3A_197 = arith.addi %add3A_196, %scan3A_139 : i32
      %add3A_198 = vector.broadcast %add3A_197 : i32 to vector<16xi32>
      %add3A_199 = arith.addi %mul3A_104, %add3A_198 : vector<16xi32>
      %gather3A_200 = tpu.vector_load_idx %arg5[%add3A_199] : memref<25600xi32, #tpu.memory_space<vmem>>[vector<16xi32>], vector<16xi32>,
      %swap3A_201 = arith.index_cast %scan3A_139 : i32 to index
      %swap3A_202 = arith.constant 112 : index
      %swap3A_203 = tpu.vector_load %arg6[%swap3A_201, %swap3A_202] {strides = array<i32>} : memref<200x128xi32, #tpu.memory_space<vmem>>, vector<16xi32>,
      tpu.vector_store %arg6[%swap3A_201, %swap3A_202], %gather3A_200 {strides = array<i32>} : memref<200x128xi32, #tpu.memory_space<vmem>>, vector<16xi32>,
      %scan3A_204 = arith.constant 0 : i32
      scf.yield %scan3A_204 : i32
    }
    %scan3A_110 = arith.constant 200 : i32
    %dma_start3A = arith.constant 0 : i32
    %dma_start3A_111 = arith.constant 0 : i32
    %dma_start3A_112 = arith.constant 0 : i32
    %dma_start3A_113 = tpu.memref_slice %arg7[%dma_start3A_111, %dma_start3A_112] : memref<256x64xf32, #tpu.memory_space<vmem>> -> memref<128x64xf32, #tpu.memory_space<vmem>>
    %dma_start3A_114 = arith.constant 0 : i32
    %dma_start3A_115 = tpu.memref_slice %arg6[%dma_start3A, %dma_start3A_114] : memref<200x128xi32, #tpu.memory_space<vmem>> -> memref<1x128xi32, #tpu.memory_space<vmem>>
    %dma_start3A_116 = tpu.memref_squeeze %dma_start3A_115 : memref<1x128xi32, #tpu.memory_space<vmem>> -> memref<128xi32, #tpu.memory_space<vmem>>
    %dma_start3A_117 = arith.constant 0 : i32
    %dma_start3A_118 = arith.constant 0 : i32
    %dma_start3A_119 = tpu.memref_slice %arg3[%dma_start3A_117, %dma_start3A_118] : memref<100000x64xf32, #tpu.memory_space<hbm>> -> memref<100000x64xf32, #tpu.memory_space<hbm>>
    tpu.enqueue_indirect_dma source(%dma_start3A_119 : memref<100000x64xf32, #tpu.memory_space<hbm>>) target(%dma_start3A_113 : memref<128x64xf32, #tpu.memory_space<vmem>>) offsets(%dma_start3A_116 : memref<128xi32, #tpu.memory_space<vmem>>) semaphore(%arg11 : memref<!tpu.dma_semaphore, #tpu.memory_space<semaphore_mem>>)
    %scan3A_120 = arith.constant 0 : i32
    %scan3A_121 = arith.constant 0 : i32
    %scan3A_122 = arith.constant 100 : i32
    %scan3A_123 = arith.addi %scan3A_121, %scan3A_122 : i32
    %scan3A_124 = arith.constant 1 : i32
    %scan3A_125 = scf.for %scan3A_139 = %scan3A_121 to %scan3A_123 step %scan3A_124 iter_args(%scan3A_140 = %scan3A_120) -> (i32)  : i32 {
      %mul3A_141 = arith.constant 2 : i32
      %mul3A_142 = arith.muli %mul3A_141, %scan3A_139 : i32
      %add3A_143 = arith.constant 1 : i32
      %add3A_144 = arith.addi %mul3A_142, %add3A_143 : i32
      %lt3A = arith.constant 200 : i32
      %lt3A_145 = arith.cmpi slt, %add3A_144, %lt3A : i32
      %convert_element_type3A_146 = arith.extui %lt3A_145 : i1 to i32
      %cond3A_147 = arith.constant 0 : i32
      %cond3A_148 = arith.cmpi ne, %convert_element_type3A_146, %cond3A_147 : i32
      scf.if %cond3A_148 {
        %add3A_259 = arith.constant 1 : i32
        %add3A_260 = arith.addi %mul3A_142, %add3A_259 : i32
        %dma_start3A_261 = arith.constant 128 : i32
        %dma_start3A_262 = arith.constant 0 : i32
        %dma_start3A_263 = tpu.memref_slice %arg7[%dma_start3A_261, %dma_start3A_262] : memref<256x64xf32, #tpu.memory_space<vmem>> -> memref<128x64xf32, #tpu.memory_space<vmem>>
        %dma_start3A_264 = arith.constant 0 : i32
        %dma_start3A_265 = tpu.memref_slice %arg6[%add3A_260, %dma_start3A_264] : memref<200x128xi32, #tpu.memory_space<vmem>> -> memref<1x128xi32, #tpu.memory_space<vmem>>
        %dma_start3A_266 = tpu.memref_squeeze %dma_start3A_265 : memref<1x128xi32, #tpu.memory_space<vmem>> -> memref<128xi32, #tpu.memory_space<vmem>>
        %dma_start3A_267 = arith.constant 0 : i32
        %dma_start3A_268 = arith.constant 0 : i32
        %dma_start3A_269 = tpu.memref_slice %arg3[%dma_start3A_267, %dma_start3A_268] : memref<100000x64xf32, #tpu.memory_space<hbm>> -> memref<100000x64xf32, #tpu.memory_space<hbm>>
        tpu.enqueue_indirect_dma source(%dma_start3A_269 : memref<100000x64xf32, #tpu.memory_space<hbm>>) target(%dma_start3A_263 : memref<128x64xf32, #tpu.memory_space<vmem>>) offsets(%dma_start3A_266 : memref<128xi32, #tpu.memory_space<vmem>>) semaphore(%arg12 : memref<!tpu.dma_semaphore, #tpu.memory_space<semaphore_mem>>)
      } else {
      }
      %dma_wait3A = arith.constant 0 : i32
      %dma_wait3A_149 = arith.constant 0 : i32
      %dma_wait3A_150 = tpu.memref_slice %arg7[%dma_wait3A, %dma_wait3A_149] : memref<256x64xf32, #tpu.memory_space<vmem>> -> memref<128x64xf32, #tpu.memory_space<vmem>>
      %dma_wait3A_151 = arith.constant 0 : i32
      %dma_wait3A_152 = arith.constant 0 : i32
      %dma_wait3A_153 = tpu.memref_slice %arg3[%dma_wait3A_151, %dma_wait3A_152] : memref<100000x64xf32, #tpu.memory_space<hbm>> -> memref<128x64xf32, #tpu.memory_space<hbm>>
      %dma_wait3A_154 = arith.constant 0 : i32
      %dma_wait3A_155 = arith.constant 0 : i32
      %dma_wait3A_156 = tpu.memref_slice %arg7[%dma_wait3A_154, %dma_wait3A_155] : memref<256x64xf32, #tpu.memory_space<vmem>> -> memref<128x64xf32, #tpu.memory_space<vmem>>
      %dma_wait3A_157 = arith.constant 0 : i32
      %dma_wait3A_158 = arith.constant 0 : i32
      %dma_wait3A_159 = tpu.memref_slice %arg3[%dma_wait3A_157, %dma_wait3A_158] : memref<100000x64xf32, #tpu.memory_space<hbm>> -> memref<128x64xf32, #tpu.memory_space<hbm>>
      tpu.wait_dma2 semaphore(%arg11 : memref<!tpu.dma_semaphore, #tpu.memory_space<semaphore_mem>>) src(%dma_wait3A_159 : memref<128x64xf32, #tpu.memory_space<hbm>>) dst(%dma_wait3A_156 : memref<128x64xf32, #tpu.memory_space<vmem>>)
      %broadcast_in_dim3A = arith.constant 0.000000e+00 : f32
      %broadcast_in_dim3A_160 = vector.broadcast %broadcast_in_dim3A : f32 to vector<16xf32>
      %broadcast_in_dim3A_161 = arith.constant 0.000000e+00 : f32
      %broadcast_in_dim3A_162 = vector.broadcast %broadcast_in_dim3A_161 : f32 to vector<16xf32>
      %broadcast_in_dim3A_163 = arith.constant 0.000000e+00 : f32
      %broadcast_in_dim3A_164 = vector.broadcast %broadcast_in_dim3A_163 : f32 to vector<16xf32>
      %broadcast_in_dim3A_165 = arith.constant 0.000000e+00 : f32
      %broadcast_in_dim3A_166 = vector.broadcast %broadcast_in_dim3A_165 : f32 to vector<16xf32>
      %scan3A_167 = arith.constant 0 : i32
      %scan3A_168 = arith.constant 128 : i32
      %scan3A_169 = arith.addi %scan3A_167, %scan3A_168 : i32
      %scan3A_170 = arith.constant 8 : i32
      %scan3A_171:4 = scf.for %scan3A_259 = %scan3A_167 to %scan3A_169 step %scan3A_170 iter_args(%scan3A_260 = %broadcast_in_dim3A_160, %scan3A_261 = %broadcast_in_dim3A_162, %scan3A_262 = %broadcast_in_dim3A_164, %scan3A_263 = %broadcast_in_dim3A_166) -> (vector<16xf32>, vector<16xf32>, vector<16xf32>, vector<16xf32>)  : i32 {
        %add3A_264 = arith.constant 0 : i32
        %add3A_265 = arith.addi %add3A_264, %scan3A_259 : i32
        %get3A = arith.index_cast %add3A_265 : i32 to index
        %get3A_266 = arith.constant 0 : index
        %get3A_267 = tpu.vector_load %arg7[%get3A, %get3A_266] {strides = array<i32>} : memref<256x64xf32, #tpu.memory_space<vmem>>, vector<16xf32>,
        %add3A_268 = arith.addf %scan3A_260, %get3A_267 : vector<16xf32>
        %add3A_269 = arith.constant 0 : i32
        %add3A_270 = arith.addi %add3A_269, %scan3A_259 : i32
        %get3A_271 = arith.index_cast %add3A_270 : i32 to index
        %get3A_272 = arith.constant 16 : index
        %get3A_273 = tpu.vector_load %arg7[%get3A_271, %get3A_272] {strides = array<i32>} : memref<256x64xf32, #tpu.memory_space<vmem>>, vector<16xf32>,
        %add3A_274 = arith.addf %scan3A_261, %get3A_273 : vector<16xf32>
        %add3A_275 = arith.constant 0 : i32
        %add3A_276 = arith.addi %add3A_275, %scan3A_259 : i32
        %get3A_277 = arith.index_cast %add3A_276 : i32 to index
        %get3A_278 = arith.constant 32 : index
        %get3A_279 = tpu.vector_load %arg7[%get3A_277, %get3A_278] {strides = array<i32>} : memref<256x64xf32, #tpu.memory_space<vmem>>, vector<16xf32>,
        %add3A_280 = arith.addf %scan3A_262, %get3A_279 : vector<16xf32>
        %add3A_281 = arith.constant 0 : i32
        %add3A_282 = arith.addi %add3A_281, %scan3A_259 : i32
        %get3A_283 = arith.index_cast %add3A_282 : i32 to index
        %get3A_284 = arith.constant 48 : index
        %get3A_285 = tpu.vector_load %arg7[%get3A_283, %get3A_284] {strides = array<i32>} : memref<256x64xf32, #tpu.memory_space<vmem>>, vector<16xf32>,
        %add3A_286 = arith.addf %scan3A_263, %get3A_285 : vector<16xf32>
        %scan3A_287 = arith.constant 1 : i32
        %scan3A_288 = arith.addi %scan3A_259, %scan3A_287 : i32
        %add3A_289 = arith.constant 0 : i32
        %add3A_290 = arith.addi %add3A_289, %scan3A_288 : i32
        %get3A_291 = arith.index_cast %add3A_290 : i32 to index
        %get3A_292 = arith.constant 0 : index
        %get3A_293 = tpu.vector_load %arg7[%get3A_291, %get3A_292] {strides = array<i32>} : memref<256x64xf32, #tpu.memory_space<vmem>>, vector<16xf32>,
        %add3A_294 = arith.addf %add3A_268, %get3A_293 : vector<16xf32>
        %add3A_295 = arith.constant 0 : i32
        %add3A_296 = arith.addi %add3A_295, %scan3A_288 : i32
        %get3A_297 = arith.index_cast %add3A_296 : i32 to index
        %get3A_298 = arith.constant 16 : index
        %get3A_299 = tpu.vector_load %arg7[%get3A_297, %get3A_298] {strides = array<i32>} : memref<256x64xf32, #tpu.memory_space<vmem>>, vector<16xf32>,
        %add3A_300 = arith.addf %add3A_274, %get3A_299 : vector<16xf32>
        %add3A_301 = arith.constant 0 : i32
        %add3A_302 = arith.addi %add3A_301, %scan3A_288 : i32
        %get3A_303 = arith.index_cast %add3A_302 : i32 to index
        %get3A_304 = arith.constant 32 : index
        %get3A_305 = tpu.vector_load %arg7[%get3A_303, %get3A_304] {strides = array<i32>} : memref<256x64xf32, #tpu.memory_space<vmem>>, vector<16xf32>,
        %add3A_306 = arith.addf %add3A_280, %get3A_305 : vector<16xf32>
        %add3A_307 = arith.constant 0 : i32
        %add3A_308 = arith.addi %add3A_307, %scan3A_288 : i32
        %get3A_309 = arith.index_cast %add3A_308 : i32 to index
        %get3A_310 = arith.constant 48 : index
        %get3A_311 = tpu.vector_load %arg7[%get3A_309, %get3A_310] {strides = array<i32>} : memref<256x64xf32, #tpu.memory_space<vmem>>, vector<16xf32>,
        %add3A_312 = arith.addf %add3A_286, %get3A_311 : vector<16xf32>
        %scan3A_313 = arith.constant 2 : i32
        %scan3A_314 = arith.addi %scan3A_259, %scan3A_313 : i32
        %add3A_315 = arith.constant 0 : i32
        %add3A_316 = arith.addi %add3A_315, %scan3A_314 : i32
        %get3A_317 = arith.index_cast %add3A_316 : i32 to index
        %get3A_318 = arith.constant 0 : index
        %get3A_319 = tpu.vector_load %arg7[%get3A_317, %get3A_318] {strides = array<i32>} : memref<256x64xf32, #tpu.memory_space<vmem>>, vector<16xf32>,
        %add3A_320 = arith.addf %add3A_294, %get3A_319 : vector<16xf32>
        %add3A_321 = arith.constant 0 : i32
        %add3A_322 = arith.addi %add3A_321, %scan3A_314 : i32
        %get3A_323 = arith.index_cast %add3A_322 : i32 to index
        %get3A_324 = arith.constant 16 : index
        %get3A_325 = tpu.vector_load %arg7[%get3A_323, %get3A_324] {strides = array<i32>} : memref<256x64xf32, #tpu.memory_space<vmem>>, vector<16xf32>,
        %add3A_326 = arith.addf %add3A_300, %get3A_325 : vector<16xf32>
        %add3A_327 = arith.constant 0 : i32
        %add3A_328 = arith.addi %add3A_327, %scan3A_314 : i32
        %get3A_329 = arith.index_cast %add3A_328 : i32 to index
        %get3A_330 = arith.constant 32 : index
        %get3A_331 = tpu.vector_load %arg7[%get3A_329, %get3A_330] {strides = array<i32>} : memref<256x64xf32, #tpu.memory_space<vmem>>, vector<16xf32>,
        %add3A_332 = arith.addf %add3A_306, %get3A_331 : vector<16xf32>
        %add3A_333 = arith.constant 0 : i32
        %add3A_334 = arith.addi %add3A_333, %scan3A_314 : i32
        %get3A_335 = arith.index_cast %add3A_334 : i32 to index
        %get3A_336 = arith.constant 48 : index
        %get3A_337 = tpu.vector_load %arg7[%get3A_335, %get3A_336] {strides = array<i32>} : memref<256x64xf32, #tpu.memory_space<vmem>>, vector<16xf32>,
        %add3A_338 = arith.addf %add3A_312, %get3A_337 : vector<16xf32>
        %scan3A_339 = arith.constant 3 : i32
        %scan3A_340 = arith.addi %scan3A_259, %scan3A_339 : i32
        %add3A_341 = arith.constant 0 : i32
        %add3A_342 = arith.addi %add3A_341, %scan3A_340 : i32
        %get3A_343 = arith.index_cast %add3A_342 : i32 to index
        %get3A_344 = arith.constant 0 : index
        %get3A_345 = tpu.vector_load %arg7[%get3A_343, %get3A_344] {strides = array<i32>} : memref<256x64xf32, #tpu.memory_space<vmem>>, vector<16xf32>,
        %add3A_346 = arith.addf %add3A_320, %get3A_345 : vector<16xf32>
        %add3A_347 = arith.constant 0 : i32
        %add3A_348 = arith.addi %add3A_347, %scan3A_340 : i32
        %get3A_349 = arith.index_cast %add3A_348 : i32 to index
        %get3A_350 = arith.constant 16 : index
        %get3A_351 = tpu.vector_load %arg7[%get3A_349, %get3A_350] {strides = array<i32>} : memref<256x64xf32, #tpu.memory_space<vmem>>, vector<16xf32>,
        %add3A_352 = arith.addf %add3A_326, %get3A_351 : vector<16xf32>
        %add3A_353 = arith.constant 0 : i32
        %add3A_354 = arith.addi %add3A_353, %scan3A_340 : i32
        %get3A_355 = arith.index_cast %add3A_354 : i32 to index
        %get3A_356 = arith.constant 32 : index
        %get3A_357 = tpu.vector_load %arg7[%get3A_355, %get3A_356] {strides = array<i32>} : memref<256x64xf32, #tpu.memory_space<vmem>>, vector<16xf32>,
        %add3A_358 = arith.addf %add3A_332, %get3A_357 : vector<16xf32>
        %add3A_359 = arith.constant 0 : i32
        %add3A_360 = arith.addi %add3A_359, %scan3A_340 : i32
        %get3A_361 = arith.index_cast %add3A_360 : i32 to index
        %get3A_362 = arith.constant 48 : index
        %get3A_363 = tpu.vector_load %arg7[%get3A_361, %get3A_362] {strides = array<i32>} : memref<256x64xf32, #tpu.memory_space<vmem>>, vector<16xf32>,
        %add3A_364 = arith.addf %add3A_338, %get3A_363 : vector<16xf32>
        %scan3A_365 = arith.constant 4 : i32
        %scan3A_366 = arith.addi %scan3A_259, %scan3A_365 : i32
        %add3A_367 = arith.constant 0 : i32
        %add3A_368 = arith.addi %add3A_367, %scan3A_366 : i32
        %get3A_369 = arith.index_cast %add3A_368 : i32 to index
        %get3A_370 = arith.constant 0 : index
        %get3A_371 = tpu.vector_load %arg7[%get3A_369, %get3A_370] {strides = array<i32>} : memref<256x64xf32, #tpu.memory_space<vmem>>, vector<16xf32>,
        %add3A_372 = arith.addf %add3A_346, %get3A_371 : vector<16xf32>
        %add3A_373 = arith.constant 0 : i32
        %add3A_374 = arith.addi %add3A_373, %scan3A_366 : i32
        %get3A_375 = arith.index_cast %add3A_374 : i32 to index
        %get3A_376 = arith.constant 16 : index
        %get3A_377 = tpu.vector_load %arg7[%get3A_375, %get3A_376] {strides = array<i32>} : memref<256x64xf32, #tpu.memory_space<vmem>>, vector<16xf32>,
        %add3A_378 = arith.addf %add3A_352, %get3A_377 : vector<16xf32>
        %add3A_379 = arith.constant 0 : i32
        %add3A_380 = arith.addi %add3A_379, %scan3A_366 : i32
        %get3A_381 = arith.index_cast %add3A_380 : i32 to index
        %get3A_382 = arith.constant 32 : index
        %get3A_383 = tpu.vector_load %arg7[%get3A_381, %get3A_382] {strides = array<i32>} : memref<256x64xf32, #tpu.memory_space<vmem>>, vector<16xf32>,
        %add3A_384 = arith.addf %add3A_358, %get3A_383 : vector<16xf32>
        %add3A_385 = arith.constant 0 : i32
        %add3A_386 = arith.addi %add3A_385, %scan3A_366 : i32
        %get3A_387 = arith.index_cast %add3A_386 : i32 to index
        %get3A_388 = arith.constant 48 : index
        %get3A_389 = tpu.vector_load %arg7[%get3A_387, %get3A_388] {strides = array<i32>} : memref<256x64xf32, #tpu.memory_space<vmem>>, vector<16xf32>,
        %add3A_390 = arith.addf %add3A_364, %get3A_389 : vector<16xf32>
        %scan3A_391 = arith.constant 5 : i32
        %scan3A_392 = arith.addi %scan3A_259, %scan3A_391 : i32
        %add3A_393 = arith.constant 0 : i32
        %add3A_394 = arith.addi %add3A_393, %scan3A_392 : i32
        %get3A_395 = arith.index_cast %add3A_394 : i32 to index
        %get3A_396 = arith.constant 0 : index
        %get3A_397 = tpu.vector_load %arg7[%get3A_395, %get3A_396] {strides = array<i32>} : memref<256x64xf32, #tpu.memory_space<vmem>>, vector<16xf32>,
        %add3A_398 = arith.addf %add3A_372, %get3A_397 : vector<16xf32>
        %add3A_399 = arith.constant 0 : i32
        %add3A_400 = arith.addi %add3A_399, %scan3A_392 : i32
        %get3A_401 = arith.index_cast %add3A_400 : i32 to index
        %get3A_402 = arith.constant 16 : index
        %get3A_403 = tpu.vector_load %arg7[%get3A_401, %get3A_402] {strides = array<i32>} : memref<256x64xf32, #tpu.memory_space<vmem>>, vector<16xf32>,
        %add3A_404 = arith.addf %add3A_378, %get3A_403 : vector<16xf32>
        %add3A_405 = arith.constant 0 : i32
        %add3A_406 = arith.addi %add3A_405, %scan3A_392 : i32
        %get3A_407 = arith.index_cast %add3A_406 : i32 to index
        %get3A_408 = arith.constant 32 : index
        %get3A_409 = tpu.vector_load %arg7[%get3A_407, %get3A_408] {strides = array<i32>} : memref<256x64xf32, #tpu.memory_space<vmem>>, vector<16xf32>,
        %add3A_410 = arith.addf %add3A_384, %get3A_409 : vector<16xf32>
        %add3A_411 = arith.constant 0 : i32
        %add3A_412 = arith.addi %add3A_411, %scan3A_392 : i32
        %get3A_413 = arith.index_cast %add3A_412 : i32 to index
        %get3A_414 = arith.constant 48 : index
        %get3A_415 = tpu.vector_load %arg7[%get3A_413, %get3A_414] {strides = array<i32>} : memref<256x64xf32, #tpu.memory_space<vmem>>, vector<16xf32>,
        %add3A_416 = arith.addf %add3A_390, %get3A_415 : vector<16xf32>
        %scan3A_417 = arith.constant 6 : i32
        %scan3A_418 = arith.addi %scan3A_259, %scan3A_417 : i32
        %add3A_419 = arith.constant 0 : i32
        %add3A_420 = arith.addi %add3A_419, %scan3A_418 : i32
        %get3A_421 = arith.index_cast %add3A_420 : i32 to index
        %get3A_422 = arith.constant 0 : index
        %get3A_423 = tpu.vector_load %arg7[%get3A_421, %get3A_422] {strides = array<i32>} : memref<256x64xf32, #tpu.memory_space<vmem>>, vector<16xf32>,
        %add3A_424 = arith.addf %add3A_398, %get3A_423 : vector<16xf32>
        %add3A_425 = arith.constant 0 : i32
        %add3A_426 = arith.addi %add3A_425, %scan3A_418 : i32
        %get3A_427 = arith.index_cast %add3A_426 : i32 to index
        %get3A_428 = arith.constant 16 : index
        %get3A_429 = tpu.vector_load %arg7[%get3A_427, %get3A_428] {strides = array<i32>} : memref<256x64xf32, #tpu.memory_space<vmem>>, vector<16xf32>,
        %add3A_430 = arith.addf %add3A_404, %get3A_429 : vector<16xf32>
        %add3A_431 = arith.constant 0 : i32
        %add3A_432 = arith.addi %add3A_431, %scan3A_418 : i32
        %get3A_433 = arith.index_cast %add3A_432 : i32 to index
        %get3A_434 = arith.constant 32 : index
        %get3A_435 = tpu.vector_load %arg7[%get3A_433, %get3A_434] {strides = array<i32>} : memref<256x64xf32, #tpu.memory_space<vmem>>, vector<16xf32>,
        %add3A_436 = arith.addf %add3A_410, %get3A_435 : vector<16xf32>
        %add3A_437 = arith.constant 0 : i32
        %add3A_438 = arith.addi %add3A_437, %scan3A_418 : i32
        %get3A_439 = arith.index_cast %add3A_438 : i32 to index
        %get3A_440 = arith.constant 48 : index
        %get3A_441 = tpu.vector_load %arg7[%get3A_439, %get3A_440] {strides = array<i32>} : memref<256x64xf32, #tpu.memory_space<vmem>>, vector<16xf32>,
        %add3A_442 = arith.addf %add3A_416, %get3A_441 : vector<16xf32>
        %scan3A_443 = arith.constant 7 : i32
        %scan3A_444 = arith.addi %scan3A_259, %scan3A_443 : i32
        %add3A_445 = arith.constant 0 : i32
        %add3A_446 = arith.addi %add3A_445, %scan3A_444 : i32
        %get3A_447 = arith.index_cast %add3A_446 : i32 to index
        %get3A_448 = arith.constant 0 : index
        %get3A_449 = tpu.vector_load %arg7[%get3A_447, %get3A_448] {strides = array<i32>} : memref<256x64xf32, #tpu.memory_space<vmem>>, vector<16xf32>,
        %add3A_450 = arith.addf %add3A_424, %get3A_449 : vector<16xf32>
        %add3A_451 = arith.constant 0 : i32
        %add3A_452 = arith.addi %add3A_451, %scan3A_444 : i32
        %get3A_453 = arith.index_cast %add3A_452 : i32 to index
        %get3A_454 = arith.constant 16 : index
        %get3A_455 = tpu.vector_load %arg7[%get3A_453, %get3A_454] {strides = array<i32>} : memref<256x64xf32, #tpu.memory_space<vmem>>, vector<16xf32>,
        %add3A_456 = arith.addf %add3A_430, %get3A_455 : vector<16xf32>
        %add3A_457 = arith.constant 0 : i32
        %add3A_458 = arith.addi %add3A_457, %scan3A_444 : i32
        %get3A_459 = arith.index_cast %add3A_458 : i32 to index
        %get3A_460 = arith.constant 32 : index
        %get3A_461 = tpu.vector_load %arg7[%get3A_459, %get3A_460] {strides = array<i32>} : memref<256x64xf32, #tpu.memory_space<vmem>>, vector<16xf32>,
        %add3A_462 = arith.addf %add3A_436, %get3A_461 : vector<16xf32>
        %add3A_463 = arith.constant 0 : i32
        %add3A_464 = arith.addi %add3A_463, %scan3A_444 : i32
        %get3A_465 = arith.index_cast %add3A_464 : i32 to index
        %get3A_466 = arith.constant 48 : index
        %get3A_467 = tpu.vector_load %arg7[%get3A_465, %get3A_466] {strides = array<i32>} : memref<256x64xf32, #tpu.memory_space<vmem>>, vector<16xf32>,
        %add3A_468 = arith.addf %add3A_442, %get3A_467 : vector<16xf32>
        scf.yield %add3A_450, %add3A_456, %add3A_462, %add3A_468 : vector<16xf32>, vector<16xf32>, vector<16xf32>, vector<16xf32>
      }
      %scan3A_172 = arith.constant 128 : i32
      %mul3A_173 = arith.constant 2.44140625E-4 : f32
      %mul3A_174 = vector.broadcast %mul3A_173 : f32 to vector<16xf32>
      %mul3A_175 = arith.mulf %scan3A_171#0, %mul3A_174 : vector<16xf32>
      %swap3A_176 = arith.index_cast %mul3A_142 : i32 to index
      %swap3A_177 = arith.constant 0 : index
      %swap3A_178 = tpu.vector_load %arg8[%swap3A_176, %swap3A_177] {strides = array<i32>} : memref<200x64xf32, #tpu.memory_space<vmem>>, vector<16xf32>,
      tpu.vector_store %arg8[%swap3A_176, %swap3A_177], %mul3A_175 {strides = array<i32>} : memref<200x64xf32, #tpu.memory_space<vmem>>, vector<16xf32>,
      %mul3A_179 = arith.constant 2.44140625E-4 : f32
      %mul3A_180 = vector.broadcast %mul3A_179 : f32 to vector<16xf32>
      %mul3A_181 = arith.mulf %scan3A_171#1, %mul3A_180 : vector<16xf32>
      %swap3A_182 = arith.index_cast %mul3A_142 : i32 to index
      %swap3A_183 = arith.constant 16 : index
      %swap3A_184 = tpu.vector_load %arg8[%swap3A_182, %swap3A_183] {strides = array<i32>} : memref<200x64xf32, #tpu.memory_space<vmem>>, vector<16xf32>,
      tpu.vector_store %arg8[%swap3A_182, %swap3A_183], %mul3A_181 {strides = array<i32>} : memref<200x64xf32, #tpu.memory_space<vmem>>, vector<16xf32>,
      %mul3A_185 = arith.constant 2.44140625E-4 : f32
      %mul3A_186 = vector.broadcast %mul3A_185 : f32 to vector<16xf32>
      %mul3A_187 = arith.mulf %scan3A_171#2, %mul3A_186 : vector<16xf32>
      %swap3A_188 = arith.index_cast %mul3A_142 : i32 to index
      %swap3A_189 = arith.constant 32 : index
      %swap3A_190 = tpu.vector_load %arg8[%swap3A_188, %swap3A_189] {strides = array<i32>} : memref<200x64xf32, #tpu.memory_space<vmem>>, vector<16xf32>,
      tpu.vector_store %arg8[%swap3A_188, %swap3A_189], %mul3A_187 {strides = array<i32>} : memref<200x64xf32, #tpu.memory_space<vmem>>, vector<16xf32>,
      %mul3A_191 = arith.constant 2.44140625E-4 : f32
      %mul3A_192 = vector.broadcast %mul3A_191 : f32 to vector<16xf32>
      %mul3A_193 = arith.mulf %scan3A_171#3, %mul3A_192 : vector<16xf32>
      %swap3A_194 = arith.index_cast %mul3A_142 : i32 to index
      %swap3A_195 = arith.constant 48 : index
      %swap3A_196 = tpu.vector_load %arg8[%swap3A_194, %swap3A_195] {strides = array<i32>} : memref<200x64xf32, #tpu.memory_space<vmem>>, vector<16xf32>,
      tpu.vector_store %arg8[%swap3A_194, %swap3A_195], %mul3A_193 {strides = array<i32>} : memref<200x64xf32, #tpu.memory_space<vmem>>, vector<16xf32>,
      %mul3A_197 = arith.constant 2 : i32
      %mul3A_198 = arith.muli %mul3A_197, %scan3A_139 : i32
      %add3A_199 = arith.constant 1 : i32
      %add3A_200 = arith.addi %mul3A_198, %add3A_199 : i32
      %add3A_201 = arith.constant 1 : i32
      %add3A_202 = arith.addi %add3A_200, %add3A_201 : i32
      %lt3A_203 = arith.constant 200 : i32
      %lt3A_204 = arith.cmpi slt, %add3A_202, %lt3A_203 : i32
      %convert_element_type3A_205 = arith.extui %lt3A_204 : i1 to i32
      %cond3A_206 = arith.constant 0 : i32
      %cond3A_207 = arith.cmpi ne, %convert_element_type3A_205, %cond3A_206 : i32
      scf.if %cond3A_207 {
        %add3A_259 = arith.constant 1 : i32
        %add3A_260 = arith.addi %add3A_200, %add3A_259 : i32
        %dma_start3A_261 = arith.constant 0 : i32
        %dma_start3A_262 = arith.constant 0 : i32
        %dma_start3A_263 = tpu.memref_slice %arg7[%dma_start3A_261, %dma_start3A_262] : memref<256x64xf32, #tpu.memory_space<vmem>> -> memref<128x64xf32, #tpu.memory_space<vmem>>
        %dma_start3A_264 = arith.constant 0 : i32
        %dma_start3A_265 = tpu.memref_slice %arg6[%add3A_260, %dma_start3A_264] : memref<200x128xi32, #tpu.memory_space<vmem>> -> memref<1x128xi32, #tpu.memory_space<vmem>>
        %dma_start3A_266 = tpu.memref_squeeze %dma_start3A_265 : memref<1x128xi32, #tpu.memory_space<vmem>> -> memref<128xi32, #tpu.memory_space<vmem>>
        %dma_start3A_267 = arith.constant 0 : i32
        %dma_start3A_268 = arith.constant 0 : i32
        %dma_start3A_269 = tpu.memref_slice %arg3[%dma_start3A_267, %dma_start3A_268] : memref<100000x64xf32, #tpu.memory_space<hbm>> -> memref<100000x64xf32, #tpu.memory_space<hbm>>
        tpu.enqueue_indirect_dma source(%dma_start3A_269 : memref<100000x64xf32, #tpu.memory_space<hbm>>) target(%dma_start3A_263 : memref<128x64xf32, #tpu.memory_space<vmem>>) offsets(%dma_start3A_266 : memref<128xi32, #tpu.memory_space<vmem>>) semaphore(%arg11 : memref<!tpu.dma_semaphore, #tpu.memory_space<semaphore_mem>>)
      } else {
      }
      %dma_wait3A_208 = arith.constant 128 : i32
      %dma_wait3A_209 = arith.constant 0 : i32
      %dma_wait3A_210 = tpu.memref_slice %arg7[%dma_wait3A_208, %dma_wait3A_209] : memref<256x64xf32, #tpu.memory_space<vmem>> -> memref<128x64xf32, #tpu.memory_space<vmem>>
      %dma_wait3A_211 = arith.constant 0 : i32
      %dma_wait3A_212 = arith.constant 0 : i32
      %dma_wait3A_213 = tpu.memref_slice %arg3[%dma_wait3A_211, %dma_wait3A_212] : memref<100000x64xf32, #tpu.memory_space<hbm>> -> memref<128x64xf32, #tpu.memory_space<hbm>>
      %dma_wait3A_214 = arith.constant 128 : i32
      %dma_wait3A_215 = arith.constant 0 : i32
      %dma_wait3A_216 = tpu.memref_slice %arg7[%dma_wait3A_214, %dma_wait3A_215] : memref<256x64xf32, #tpu.memory_space<vmem>> -> memref<128x64xf32, #tpu.memory_space<vmem>>
      %dma_wait3A_217 = arith.constant 0 : i32
      %dma_wait3A_218 = arith.constant 0 : i32
      %dma_wait3A_219 = tpu.memref_slice %arg3[%dma_wait3A_217, %dma_wait3A_218] : memref<100000x64xf32, #tpu.memory_space<hbm>> -> memref<128x64xf32, #tpu.memory_space<hbm>>
      tpu.wait_dma2 semaphore(%arg12 : memref<!tpu.dma_semaphore, #tpu.memory_space<semaphore_mem>>) src(%dma_wait3A_219 : memref<128x64xf32, #tpu.memory_space<hbm>>) dst(%dma_wait3A_216 : memref<128x64xf32, #tpu.memory_space<vmem>>)
      %broadcast_in_dim3A_220 = arith.constant 0.000000e+00 : f32
      %broadcast_in_dim3A_221 = vector.broadcast %broadcast_in_dim3A_220 : f32 to vector<16xf32>
      %broadcast_in_dim3A_222 = arith.constant 0.000000e+00 : f32
      %broadcast_in_dim3A_223 = vector.broadcast %broadcast_in_dim3A_222 : f32 to vector<16xf32>
      %broadcast_in_dim3A_224 = arith.constant 0.000000e+00 : f32
      %broadcast_in_dim3A_225 = vector.broadcast %broadcast_in_dim3A_224 : f32 to vector<16xf32>
      %broadcast_in_dim3A_226 = arith.constant 0.000000e+00 : f32
      %broadcast_in_dim3A_227 = vector.broadcast %broadcast_in_dim3A_226 : f32 to vector<16xf32>
      %scan3A_228 = arith.constant 0 : i32
      %scan3A_229 = arith.constant 128 : i32
      %scan3A_230 = arith.addi %scan3A_228, %scan3A_229 : i32
      %scan3A_231 = arith.constant 8 : i32
      %scan3A_232:4 = scf.for %scan3A_259 = %scan3A_228 to %scan3A_230 step %scan3A_231 iter_args(%scan3A_260 = %broadcast_in_dim3A_221, %scan3A_261 = %broadcast_in_dim3A_223, %scan3A_262 = %broadcast_in_dim3A_225, %scan3A_263 = %broadcast_in_dim3A_227) -> (vector<16xf32>, vector<16xf32>, vector<16xf32>, vector<16xf32>)  : i32 {
        %add3A_264 = arith.constant 128 : i32
        %add3A_265 = arith.addi %add3A_264, %scan3A_259 : i32
        %get3A = arith.index_cast %add3A_265 : i32 to index
        %get3A_266 = arith.constant 0 : index
        %get3A_267 = tpu.vector_load %arg7[%get3A, %get3A_266] {strides = array<i32>} : memref<256x64xf32, #tpu.memory_space<vmem>>, vector<16xf32>,
        %add3A_268 = arith.addf %scan3A_260, %get3A_267 : vector<16xf32>
        %add3A_269 = arith.constant 128 : i32
        %add3A_270 = arith.addi %add3A_269, %scan3A_259 : i32
        %get3A_271 = arith.index_cast %add3A_270 : i32 to index
        %get3A_272 = arith.constant 16 : index
        %get3A_273 = tpu.vector_load %arg7[%get3A_271, %get3A_272] {strides = array<i32>} : memref<256x64xf32, #tpu.memory_space<vmem>>, vector<16xf32>,
        %add3A_274 = arith.addf %scan3A_261, %get3A_273 : vector<16xf32>
        %add3A_275 = arith.constant 128 : i32
        %add3A_276 = arith.addi %add3A_275, %scan3A_259 : i32
        %get3A_277 = arith.index_cast %add3A_276 : i32 to index
        %get3A_278 = arith.constant 32 : index
        %get3A_279 = tpu.vector_load %arg7[%get3A_277, %get3A_278] {strides = array<i32>} : memref<256x64xf32, #tpu.memory_space<vmem>>, vector<16xf32>,
        %add3A_280 = arith.addf %scan3A_262, %get3A_279 : vector<16xf32>
        %add3A_281 = arith.constant 128 : i32
        %add3A_282 = arith.addi %add3A_281, %scan3A_259 : i32
        %get3A_283 = arith.index_cast %add3A_282 : i32 to index
        %get3A_284 = arith.constant 48 : index
        %get3A_285 = tpu.vector_load %arg7[%get3A_283, %get3A_284] {strides = array<i32>} : memref<256x64xf32, #tpu.memory_space<vmem>>, vector<16xf32>,
        %add3A_286 = arith.addf %scan3A_263, %get3A_285 : vector<16xf32>
        %scan3A_287 = arith.constant 1 : i32
        %scan3A_288 = arith.addi %scan3A_259, %scan3A_287 : i32
        %add3A_289 = arith.constant 128 : i32
        %add3A_290 = arith.addi %add3A_289, %scan3A_288 : i32
        %get3A_291 = arith.index_cast %add3A_290 : i32 to index
        %get3A_292 = arith.constant 0 : index
        %get3A_293 = tpu.vector_load %arg7[%get3A_291, %get3A_292] {strides = array<i32>} : memref<256x64xf32, #tpu.memory_space<vmem>>, vector<16xf32>,
        %add3A_294 = arith.addf %add3A_268, %get3A_293 : vector<16xf32>
        %add3A_295 = arith.constant 128 : i32
        %add3A_296 = arith.addi %add3A_295, %scan3A_288 : i32
        %get3A_297 = arith.index_cast %add3A_296 : i32 to index
        %get3A_298 = arith.constant 16 : index
        %get3A_299 = tpu.vector_load %arg7[%get3A_297, %get3A_298] {strides = array<i32>} : memref<256x64xf32, #tpu.memory_space<vmem>>, vector<16xf32>,
        %add3A_300 = arith.addf %add3A_274, %get3A_299 : vector<16xf32>
        %add3A_301 = arith.constant 128 : i32
        %add3A_302 = arith.addi %add3A_301, %scan3A_288 : i32
        %get3A_303 = arith.index_cast %add3A_302 : i32 to index
        %get3A_304 = arith.constant 32 : index
        %get3A_305 = tpu.vector_load %arg7[%get3A_303, %get3A_304] {strides = array<i32>} : memref<256x64xf32, #tpu.memory_space<vmem>>, vector<16xf32>,
        %add3A_306 = arith.addf %add3A_280, %get3A_305 : vector<16xf32>
        %add3A_307 = arith.constant 128 : i32
        %add3A_308 = arith.addi %add3A_307, %scan3A_288 : i32
        %get3A_309 = arith.index_cast %add3A_308 : i32 to index
        %get3A_310 = arith.constant 48 : index
        %get3A_311 = tpu.vector_load %arg7[%get3A_309, %get3A_310] {strides = array<i32>} : memref<256x64xf32, #tpu.memory_space<vmem>>, vector<16xf32>,
        %add3A_312 = arith.addf %add3A_286, %get3A_311 : vector<16xf32>
        %scan3A_313 = arith.constant 2 : i32
        %scan3A_314 = arith.addi %scan3A_259, %scan3A_313 : i32
        %add3A_315 = arith.constant 128 : i32
        %add3A_316 = arith.addi %add3A_315, %scan3A_314 : i32
        %get3A_317 = arith.index_cast %add3A_316 : i32 to index
        %get3A_318 = arith.constant 0 : index
        %get3A_319 = tpu.vector_load %arg7[%get3A_317, %get3A_318] {strides = array<i32>} : memref<256x64xf32, #tpu.memory_space<vmem>>, vector<16xf32>,
        %add3A_320 = arith.addf %add3A_294, %get3A_319 : vector<16xf32>
        %add3A_321 = arith.constant 128 : i32
        %add3A_322 = arith.addi %add3A_321, %scan3A_314 : i32
        %get3A_323 = arith.index_cast %add3A_322 : i32 to index
        %get3A_324 = arith.constant 16 : index
        %get3A_325 = tpu.vector_load %arg7[%get3A_323, %get3A_324] {strides = array<i32>} : memref<256x64xf32, #tpu.memory_space<vmem>>, vector<16xf32>,
        %add3A_326 = arith.addf %add3A_300, %get3A_325 : vector<16xf32>
        %add3A_327 = arith.constant 128 : i32
        %add3A_328 = arith.addi %add3A_327, %scan3A_314 : i32
        %get3A_329 = arith.index_cast %add3A_328 : i32 to index
        %get3A_330 = arith.constant 32 : index
        %get3A_331 = tpu.vector_load %arg7[%get3A_329, %get3A_330] {strides = array<i32>} : memref<256x64xf32, #tpu.memory_space<vmem>>, vector<16xf32>,
        %add3A_332 = arith.addf %add3A_306, %get3A_331 : vector<16xf32>
        %add3A_333 = arith.constant 128 : i32
        %add3A_334 = arith.addi %add3A_333, %scan3A_314 : i32
        %get3A_335 = arith.index_cast %add3A_334 : i32 to index
        %get3A_336 = arith.constant 48 : index
        %get3A_337 = tpu.vector_load %arg7[%get3A_335, %get3A_336] {strides = array<i32>} : memref<256x64xf32, #tpu.memory_space<vmem>>, vector<16xf32>,
        %add3A_338 = arith.addf %add3A_312, %get3A_337 : vector<16xf32>
        %scan3A_339 = arith.constant 3 : i32
        %scan3A_340 = arith.addi %scan3A_259, %scan3A_339 : i32
        %add3A_341 = arith.constant 128 : i32
        %add3A_342 = arith.addi %add3A_341, %scan3A_340 : i32
        %get3A_343 = arith.index_cast %add3A_342 : i32 to index
        %get3A_344 = arith.constant 0 : index
        %get3A_345 = tpu.vector_load %arg7[%get3A_343, %get3A_344] {strides = array<i32>} : memref<256x64xf32, #tpu.memory_space<vmem>>, vector<16xf32>,
        %add3A_346 = arith.addf %add3A_320, %get3A_345 : vector<16xf32>
        %add3A_347 = arith.constant 128 : i32
        %add3A_348 = arith.addi %add3A_347, %scan3A_340 : i32
        %get3A_349 = arith.index_cast %add3A_348 : i32 to index
        %get3A_350 = arith.constant 16 : index
        %get3A_351 = tpu.vector_load %arg7[%get3A_349, %get3A_350] {strides = array<i32>} : memref<256x64xf32, #tpu.memory_space<vmem>>, vector<16xf32>,
        %add3A_352 = arith.addf %add3A_326, %get3A_351 : vector<16xf32>
        %add3A_353 = arith.constant 128 : i32
        %add3A_354 = arith.addi %add3A_353, %scan3A_340 : i32
        %get3A_355 = arith.index_cast %add3A_354 : i32 to index
        %get3A_356 = arith.constant 32 : index
        %get3A_357 = tpu.vector_load %arg7[%get3A_355, %get3A_356] {strides = array<i32>} : memref<256x64xf32, #tpu.memory_space<vmem>>, vector<16xf32>,
        %add3A_358 = arith.addf %add3A_332, %get3A_357 : vector<16xf32>
        %add3A_359 = arith.constant 128 : i32
        %add3A_360 = arith.addi %add3A_359, %scan3A_340 : i32
        %get3A_361 = arith.index_cast %add3A_360 : i32 to index
        %get3A_362 = arith.constant 48 : index
        %get3A_363 = tpu.vector_load %arg7[%get3A_361, %get3A_362] {strides = array<i32>} : memref<256x64xf32, #tpu.memory_space<vmem>>, vector<16xf32>,
        %add3A_364 = arith.addf %add3A_338, %get3A_363 : vector<16xf32>
        %scan3A_365 = arith.constant 4 : i32
        %scan3A_366 = arith.addi %scan3A_259, %scan3A_365 : i32
        %add3A_367 = arith.constant 128 : i32
        %add3A_368 = arith.addi %add3A_367, %scan3A_366 : i32
        %get3A_369 = arith.index_cast %add3A_368 : i32 to index
        %get3A_370 = arith.constant 0 : index
        %get3A_371 = tpu.vector_load %arg7[%get3A_369, %get3A_370] {strides = array<i32>} : memref<256x64xf32, #tpu.memory_space<vmem>>, vector<16xf32>,
        %add3A_372 = arith.addf %add3A_346, %get3A_371 : vector<16xf32>
        %add3A_373 = arith.constant 128 : i32
        %add3A_374 = arith.addi %add3A_373, %scan3A_366 : i32
        %get3A_375 = arith.index_cast %add3A_374 : i32 to index
        %get3A_376 = arith.constant 16 : index
        %get3A_377 = tpu.vector_load %arg7[%get3A_375, %get3A_376] {strides = array<i32>} : memref<256x64xf32, #tpu.memory_space<vmem>>, vector<16xf32>,
        %add3A_378 = arith.addf %add3A_352, %get3A_377 : vector<16xf32>
        %add3A_379 = arith.constant 128 : i32
        %add3A_380 = arith.addi %add3A_379, %scan3A_366 : i32
        %get3A_381 = arith.index_cast %add3A_380 : i32 to index
        %get3A_382 = arith.constant 32 : index
        %get3A_383 = tpu.vector_load %arg7[%get3A_381, %get3A_382] {strides = array<i32>} : memref<256x64xf32, #tpu.memory_space<vmem>>, vector<16xf32>,
        %add3A_384 = arith.addf %add3A_358, %get3A_383 : vector<16xf32>
        %add3A_385 = arith.constant 128 : i32
        %add3A_386 = arith.addi %add3A_385, %scan3A_366 : i32
        %get3A_387 = arith.index_cast %add3A_386 : i32 to index
        %get3A_388 = arith.constant 48 : index
        %get3A_389 = tpu.vector_load %arg7[%get3A_387, %get3A_388] {strides = array<i32>} : memref<256x64xf32, #tpu.memory_space<vmem>>, vector<16xf32>,
        %add3A_390 = arith.addf %add3A_364, %get3A_389 : vector<16xf32>
        %scan3A_391 = arith.constant 5 : i32
        %scan3A_392 = arith.addi %scan3A_259, %scan3A_391 : i32
        %add3A_393 = arith.constant 128 : i32
        %add3A_394 = arith.addi %add3A_393, %scan3A_392 : i32
        %get3A_395 = arith.index_cast %add3A_394 : i32 to index
        %get3A_396 = arith.constant 0 : index
        %get3A_397 = tpu.vector_load %arg7[%get3A_395, %get3A_396] {strides = array<i32>} : memref<256x64xf32, #tpu.memory_space<vmem>>, vector<16xf32>,
        %add3A_398 = arith.addf %add3A_372, %get3A_397 : vector<16xf32>
        %add3A_399 = arith.constant 128 : i32
        %add3A_400 = arith.addi %add3A_399, %scan3A_392 : i32
        %get3A_401 = arith.index_cast %add3A_400 : i32 to index
        %get3A_402 = arith.constant 16 : index
        %get3A_403 = tpu.vector_load %arg7[%get3A_401, %get3A_402] {strides = array<i32>} : memref<256x64xf32, #tpu.memory_space<vmem>>, vector<16xf32>,
        %add3A_404 = arith.addf %add3A_378, %get3A_403 : vector<16xf32>
        %add3A_405 = arith.constant 128 : i32
        %add3A_406 = arith.addi %add3A_405, %scan3A_392 : i32
        %get3A_407 = arith.index_cast %add3A_406 : i32 to index
        %get3A_408 = arith.constant 32 : index
        %get3A_409 = tpu.vector_load %arg7[%get3A_407, %get3A_408] {strides = array<i32>} : memref<256x64xf32, #tpu.memory_space<vmem>>, vector<16xf32>,
        %add3A_410 = arith.addf %add3A_384, %get3A_409 : vector<16xf32>
        %add3A_411 = arith.constant 128 : i32
        %add3A_412 = arith.addi %add3A_411, %scan3A_392 : i32
        %get3A_413 = arith.index_cast %add3A_412 : i32 to index
        %get3A_414 = arith.constant 48 : index
        %get3A_415 = tpu.vector_load %arg7[%get3A_413, %get3A_414] {strides = array<i32>} : memref<256x64xf32, #tpu.memory_space<vmem>>, vector<16xf32>,
        %add3A_416 = arith.addf %add3A_390, %get3A_415 : vector<16xf32>
        %scan3A_417 = arith.constant 6 : i32
        %scan3A_418 = arith.addi %scan3A_259, %scan3A_417 : i32
        %add3A_419 = arith.constant 128 : i32
        %add3A_420 = arith.addi %add3A_419, %scan3A_418 : i32
        %get3A_421 = arith.index_cast %add3A_420 : i32 to index
        %get3A_422 = arith.constant 0 : index
        %get3A_423 = tpu.vector_load %arg7[%get3A_421, %get3A_422] {strides = array<i32>} : memref<256x64xf32, #tpu.memory_space<vmem>>, vector<16xf32>,
        %add3A_424 = arith.addf %add3A_398, %get3A_423 : vector<16xf32>
        %add3A_425 = arith.constant 128 : i32
        %add3A_426 = arith.addi %add3A_425, %scan3A_418 : i32
        %get3A_427 = arith.index_cast %add3A_426 : i32 to index
        %get3A_428 = arith.constant 16 : index
        %get3A_429 = tpu.vector_load %arg7[%get3A_427, %get3A_428] {strides = array<i32>} : memref<256x64xf32, #tpu.memory_space<vmem>>, vector<16xf32>,
        %add3A_430 = arith.addf %add3A_404, %get3A_429 : vector<16xf32>
        %add3A_431 = arith.constant 128 : i32
        %add3A_432 = arith.addi %add3A_431, %scan3A_418 : i32
        %get3A_433 = arith.index_cast %add3A_432 : i32 to index
        %get3A_434 = arith.constant 32 : index
        %get3A_435 = tpu.vector_load %arg7[%get3A_433, %get3A_434] {strides = array<i32>} : memref<256x64xf32, #tpu.memory_space<vmem>>, vector<16xf32>,
        %add3A_436 = arith.addf %add3A_410, %get3A_435 : vector<16xf32>
        %add3A_437 = arith.constant 128 : i32
        %add3A_438 = arith.addi %add3A_437, %scan3A_418 : i32
        %get3A_439 = arith.index_cast %add3A_438 : i32 to index
        %get3A_440 = arith.constant 48 : index
        %get3A_441 = tpu.vector_load %arg7[%get3A_439, %get3A_440] {strides = array<i32>} : memref<256x64xf32, #tpu.memory_space<vmem>>, vector<16xf32>,
        %add3A_442 = arith.addf %add3A_416, %get3A_441 : vector<16xf32>
        %scan3A_443 = arith.constant 7 : i32
        %scan3A_444 = arith.addi %scan3A_259, %scan3A_443 : i32
        %add3A_445 = arith.constant 128 : i32
        %add3A_446 = arith.addi %add3A_445, %scan3A_444 : i32
        %get3A_447 = arith.index_cast %add3A_446 : i32 to index
        %get3A_448 = arith.constant 0 : index
        %get3A_449 = tpu.vector_load %arg7[%get3A_447, %get3A_448] {strides = array<i32>} : memref<256x64xf32, #tpu.memory_space<vmem>>, vector<16xf32>,
        %add3A_450 = arith.addf %add3A_424, %get3A_449 : vector<16xf32>
        %add3A_451 = arith.constant 128 : i32
        %add3A_452 = arith.addi %add3A_451, %scan3A_444 : i32
        %get3A_453 = arith.index_cast %add3A_452 : i32 to index
        %get3A_454 = arith.constant 16 : index
        %get3A_455 = tpu.vector_load %arg7[%get3A_453, %get3A_454] {strides = array<i32>} : memref<256x64xf32, #tpu.memory_space<vmem>>, vector<16xf32>,
        %add3A_456 = arith.addf %add3A_430, %get3A_455 : vector<16xf32>
        %add3A_457 = arith.constant 128 : i32
        %add3A_458 = arith.addi %add3A_457, %scan3A_444 : i32
        %get3A_459 = arith.index_cast %add3A_458 : i32 to index
        %get3A_460 = arith.constant 32 : index
        %get3A_461 = tpu.vector_load %arg7[%get3A_459, %get3A_460] {strides = array<i32>} : memref<256x64xf32, #tpu.memory_space<vmem>>, vector<16xf32>,
        %add3A_462 = arith.addf %add3A_436, %get3A_461 : vector<16xf32>
        %add3A_463 = arith.constant 128 : i32
        %add3A_464 = arith.addi %add3A_463, %scan3A_444 : i32
        %get3A_465 = arith.index_cast %add3A_464 : i32 to index
        %get3A_466 = arith.constant 48 : index
        %get3A_467 = tpu.vector_load %arg7[%get3A_465, %get3A_466] {strides = array<i32>} : memref<256x64xf32, #tpu.memory_space<vmem>>, vector<16xf32>,
        %add3A_468 = arith.addf %add3A_442, %get3A_467 : vector<16xf32>
        scf.yield %add3A_450, %add3A_456, %add3A_462, %add3A_468 : vector<16xf32>, vector<16xf32>, vector<16xf32>, vector<16xf32>
      }
      %scan3A_233 = arith.constant 128 : i32
      %mul3A_234 = arith.constant 2.44140625E-4 : f32
      %mul3A_235 = vector.broadcast %mul3A_234 : f32 to vector<16xf32>
      %mul3A_236 = arith.mulf %scan3A_232#0, %mul3A_235 : vector<16xf32>
      %swap3A_237 = arith.index_cast %add3A_200 : i32 to index
      %swap3A_238 = arith.constant 0 : index
      %swap3A_239 = tpu.vector_load %arg8[%swap3A_237, %swap3A_238] {strides = array<i32>} : memref<200x64xf32, #tpu.memory_space<vmem>>, vector<16xf32>,
      tpu.vector_store %arg8[%swap3A_237, %swap3A_238], %mul3A_236 {strides = array<i32>} : memref<200x64xf32, #tpu.memory_space<vmem>>, vector<16xf32>,
      %mul3A_240 = arith.constant 2.44140625E-4 : f32
      %mul3A_241 = vector.broadcast %mul3A_240 : f32 to vector<16xf32>
      %mul3A_242 = arith.mulf %scan3A_232#1, %mul3A_241 : vector<16xf32>
      %swap3A_243 = arith.index_cast %add3A_200 : i32 to index
      %swap3A_244 = arith.constant 16 : index
      %swap3A_245 = tpu.vector_load %arg8[%swap3A_243, %swap3A_244] {strides = array<i32>} : memref<200x64xf32, #tpu.memory_space<vmem>>, vector<16xf32>,
      tpu.vector_store %arg8[%swap3A_243, %swap3A_244], %mul3A_242 {strides = array<i32>} : memref<200x64xf32, #tpu.memory_space<vmem>>, vector<16xf32>,
      %mul3A_246 = arith.constant 2.44140625E-4 : f32
      %mul3A_247 = vector.broadcast %mul3A_246 : f32 to vector<16xf32>
      %mul3A_248 = arith.mulf %scan3A_232#2, %mul3A_247 : vector<16xf32>
      %swap3A_249 = arith.index_cast %add3A_200 : i32 to index
      %swap3A_250 = arith.constant 32 : index
      %swap3A_251 = tpu.vector_load %arg8[%swap3A_249, %swap3A_250] {strides = array<i32>} : memref<200x64xf32, #tpu.memory_space<vmem>>, vector<16xf32>,
      tpu.vector_store %arg8[%swap3A_249, %swap3A_250], %mul3A_248 {strides = array<i32>} : memref<200x64xf32, #tpu.memory_space<vmem>>, vector<16xf32>,
      %mul3A_252 = arith.constant 2.44140625E-4 : f32
      %mul3A_253 = vector.broadcast %mul3A_252 : f32 to vector<16xf32>
      %mul3A_254 = arith.mulf %scan3A_232#3, %mul3A_253 : vector<16xf32>
      %swap3A_255 = arith.index_cast %add3A_200 : i32 to index
      %swap3A_256 = arith.constant 48 : index
      %swap3A_257 = tpu.vector_load %arg8[%swap3A_255, %swap3A_256] {strides = array<i32>} : memref<200x64xf32, #tpu.memory_space<vmem>>, vector<16xf32>,
      tpu.vector_store %arg8[%swap3A_255, %swap3A_256], %mul3A_254 {strides = array<i32>} : memref<200x64xf32, #tpu.memory_space<vmem>>, vector<16xf32>,
      %scan3A_258 = arith.constant 0 : i32
      scf.yield %scan3A_258 : i32
    }
    %scan3A_126 = arith.constant 100 : i32
    %eq3A = arith.constant 0 : i32
    %eq3A_127 = arith.cmpi eq, %arg1, %eq3A : i32
    %convert_element_type3A = arith.extui %eq3A_127 : i1 to i32
    %cond3A = arith.constant 0 : i32
    %cond3A_128 = arith.cmpi ne, %convert_element_type3A, %cond3A : i32
    scf.if %cond3A_128 {
      "tpu.region"() ({
        %run_scoped3A = tpu.sem_alloc : memref<!tpu.dma_semaphore, #tpu.memory_space<semaphore_mem>>
        tpu.enqueue_dma source(%arg8 : memref<200x64xf32, #tpu.memory_space<vmem>>) target(%arg10 : memref<200x64xf32, #tpu.memory_space<vmem_shared>>) target_semaphore(%run_scoped3A : memref<!tpu.dma_semaphore, #tpu.memory_space<semaphore_mem>>)
        tpu.wait_dma2 semaphore(%run_scoped3A : memref<!tpu.dma_semaphore, #tpu.memory_space<semaphore_mem>>) src(%arg8 : memref<200x64xf32, #tpu.memory_space<vmem>>) dst(%arg10 : memref<200x64xf32, #tpu.memory_space<vmem_shared>>)
        tpu.yield
      }) : () -> ()
    } else {
    }
    %barrier3A = arith.constant 0 : index
    tpu.barrier barrier_id(%barrier3A)
    %ne3A = arith.constant 0 : i32
    %ne3A_129 = arith.cmpi ne, %arg1, %ne3A : i32
    %convert_element_type3A_130 = arith.extui %ne3A_129 : i1 to i32
    %cond3A_131 = arith.constant 0 : i32
    %cond3A_132 = arith.cmpi ne, %convert_element_type3A_130, %cond3A_131 : i32
    scf.if %cond3A_132 {
      %run_scoped3A = arith.constant 0 : i32
      "tpu.region"() ({
        %run_scoped3A_140 = tpu.sem_alloc : memref<!tpu.dma_semaphore, #tpu.memory_space<semaphore_mem>>
        %dma_start3A_141 = arith.constant 0 : i32
        %dma_start3A_142 = arith.constant 0 : i32
        %dma_start3A_143 = tpu.memref_slice %arg8[%dma_start3A_141, %dma_start3A_142] : memref<200x64xf32, #tpu.memory_space<vmem>> -> memref<100x64xf32, #tpu.memory_space<vmem>>
        %dma_start3A_144 = arith.constant 0 : i32
        %dma_start3A_145 = tpu.memref_slice %arg9[%run_scoped3A, %dma_start3A_144] : memref<2x100xi32, #tpu.memory_space<vmem>> -> memref<1x100xi32, #tpu.memory_space<vmem>>
        %dma_start3A_146 = tpu.memref_squeeze %dma_start3A_145 : memref<1x100xi32, #tpu.memory_space<vmem>> -> memref<100xi32, #tpu.memory_space<vmem>>
        %dma_start3A_147 = arith.constant 0 : i32
        %dma_start3A_148 = arith.constant 0 : i32
        %dma_start3A_149 = tpu.memref_slice %arg10[%dma_start3A_147, %dma_start3A_148] : memref<200x64xf32, #tpu.memory_space<vmem_shared>> -> memref<200x64xf32, #tpu.memory_space<vmem_shared>>
        tpu.enqueue_indirect_dma source(%dma_start3A_143 : memref<100x64xf32, #tpu.memory_space<vmem>>) target(%dma_start3A_149 : memref<200x64xf32, #tpu.memory_space<vmem_shared>>) offsets(%dma_start3A_146 : memref<100xi32, #tpu.memory_space<vmem>>) semaphore(%run_scoped3A_140 : memref<!tpu.dma_semaphore, #tpu.memory_space<semaphore_mem>>) {add = true}
        %dma_wait3A = arith.constant 0 : i32
        %dma_wait3A_150 = arith.constant 0 : i32
        %dma_wait3A_151 = tpu.memref_slice %arg8[%dma_wait3A, %dma_wait3A_150] : memref<200x64xf32, #tpu.memory_space<vmem>> -> memref<100x64xf32, #tpu.memory_space<vmem>>
        %dma_wait3A_152 = arith.constant 0 : i32
        %dma_wait3A_153 = tpu.memref_slice %arg9[%run_scoped3A, %dma_wait3A_152] : memref<2x100xi32, #tpu.memory_space<vmem>> -> memref<1x100xi32, #tpu.memory_space<vmem>>
        %dma_wait3A_154 = tpu.memref_squeeze %dma_wait3A_153 : memref<1x100xi32, #tpu.memory_space<vmem>> -> memref<100xi32, #tpu.memory_space<vmem>>
        %dma_wait3A_155 = arith.constant 0 : i32
        %dma_wait3A_156 = arith.constant 0 : i32
        %dma_wait3A_157 = tpu.memref_slice %arg10[%dma_wait3A_155, %dma_wait3A_156] : memref<200x64xf32, #tpu.memory_space<vmem_shared>> -> memref<200x64xf32, #tpu.memory_space<vmem_shared>>
        tpu.wait_indirect_dma semaphore(%run_scoped3A_140 : memref<!tpu.dma_semaphore, #tpu.memory_space<semaphore_mem>>) src(%dma_wait3A_151 : memref<100x64xf32, #tpu.memory_space<vmem>>) dst(%dma_wait3A_157 : memref<200x64xf32, #tpu.memory_space<vmem_shared>>)
        tpu.yield
      }) : () -> ()
      %run_scoped3A_139 = arith.constant 1 : i32
      "tpu.region"() ({
        %run_scoped3A_140 = tpu.sem_alloc : memref<!tpu.dma_semaphore, #tpu.memory_space<semaphore_mem>>
        %dma_start3A_141 = arith.constant 100 : i32
        %dma_start3A_142 = arith.constant 0 : i32
        %dma_start3A_143 = tpu.memref_slice %arg8[%dma_start3A_141, %dma_start3A_142] : memref<200x64xf32, #tpu.memory_space<vmem>> -> memref<100x64xf32, #tpu.memory_space<vmem>>
        %dma_start3A_144 = arith.constant 0 : i32
        %dma_start3A_145 = tpu.memref_slice %arg9[%run_scoped3A_139, %dma_start3A_144] : memref<2x100xi32, #tpu.memory_space<vmem>> -> memref<1x100xi32, #tpu.memory_space<vmem>>
        %dma_start3A_146 = tpu.memref_squeeze %dma_start3A_145 : memref<1x100xi32, #tpu.memory_space<vmem>> -> memref<100xi32, #tpu.memory_space<vmem>>
        %dma_start3A_147 = arith.constant 0 : i32
        %dma_start3A_148 = arith.constant 0 : i32
        %dma_start3A_149 = tpu.memref_slice %arg10[%dma_start3A_147, %dma_start3A_148] : memref<200x64xf32, #tpu.memory_space<vmem_shared>> -> memref<200x64xf32, #tpu.memory_space<vmem_shared>>
        tpu.enqueue_indirect_dma source(%dma_start3A_143 : memref<100x64xf32, #tpu.memory_space<vmem>>) target(%dma_start3A_149 : memref<200x64xf32, #tpu.memory_space<vmem_shared>>) offsets(%dma_start3A_146 : memref<100xi32, #tpu.memory_space<vmem>>) semaphore(%run_scoped3A_140 : memref<!tpu.dma_semaphore, #tpu.memory_space<semaphore_mem>>) {add = true}
        %dma_wait3A = arith.constant 100 : i32
        %dma_wait3A_150 = arith.constant 0 : i32
        %dma_wait3A_151 = tpu.memref_slice %arg8[%dma_wait3A, %dma_wait3A_150] : memref<200x64xf32, #tpu.memory_space<vmem>> -> memref<100x64xf32, #tpu.memory_space<vmem>>
        %dma_wait3A_152 = arith.constant 0 : i32
        %dma_wait3A_153 = tpu.memref_slice %arg9[%run_scoped3A_139, %dma_wait3A_152] : memref<2x100xi32, #tpu.memory_space<vmem>> -> memref<1x100xi32, #tpu.memory_space<vmem>>
        %dma_wait3A_154 = tpu.memref_squeeze %dma_wait3A_153 : memref<1x100xi32, #tpu.memory_space<vmem>> -> memref<100xi32, #tpu.memory_space<vmem>>
        %dma_wait3A_155 = arith.constant 0 : i32
        %dma_wait3A_156 = arith.constant 0 : i32
        %dma_wait3A_157 = tpu.memref_slice %arg10[%dma_wait3A_155, %dma_wait3A_156] : memref<200x64xf32, #tpu.memory_space<vmem_shared>> -> memref<200x64xf32, #tpu.memory_space<vmem_shared>>
        tpu.wait_indirect_dma semaphore(%run_scoped3A_140 : memref<!tpu.dma_semaphore, #tpu.memory_space<semaphore_mem>>) src(%dma_wait3A_151 : memref<100x64xf32, #tpu.memory_space<vmem>>) dst(%dma_wait3A_157 : memref<200x64xf32, #tpu.memory_space<vmem_shared>>)
        tpu.yield
      }) : () -> ()
    } else {
    }
    %barrier3A_133 = arith.constant 0 : index
    tpu.barrier barrier_id(%barrier3A_133)
    %eq3A_134 = arith.constant 0 : i32
    %eq3A_135 = arith.cmpi eq, %arg1, %eq3A_134 : i32
    %convert_element_type3A_136 = arith.extui %eq3A_135 : i1 to i32
    %cond3A_137 = arith.constant 0 : i32
    %cond3A_138 = arith.cmpi ne, %convert_element_type3A_136, %cond3A_137 : i32
    scf.if %cond3A_138 {
      "tpu.region"() ({
        %run_scoped3A = tpu.sem_alloc : memref<!tpu.dma_semaphore, #tpu.memory_space<semaphore_mem>>
        %dma_start3A_139 = arith.constant 0 : i32
        %dma_start3A_140 = arith.constant 0 : i32
        %dma_start3A_141 = tpu.memref_slice %arg4[%arg0, %dma_start3A_139, %dma_start3A_140] : memref<2x200x64xf32, #tpu.memory_space<hbm>> -> memref<1x200x64xf32, #tpu.memory_space<hbm>>
        %dma_start3A_142 = tpu.memref_squeeze %dma_start3A_141 : memref<1x200x64xf32, #tpu.memory_space<hbm>> -> memref<200x64xf32, #tpu.memory_space<hbm>>
        tpu.enqueue_dma source(%arg10 : memref<200x64xf32, #tpu.memory_space<vmem_shared>>) target(%dma_start3A_142 : memref<200x64xf32, #tpu.memory_space<hbm>>) target_semaphore(%run_scoped3A : memref<!tpu.dma_semaphore, #tpu.memory_space<semaphore_mem>>)
        %dma_wait3A = arith.constant 0 : i32
        %dma_wait3A_143 = arith.constant 0 : i32
        %dma_wait3A_144 = tpu.memref_slice %arg4[%arg0, %dma_wait3A, %dma_wait3A_143] : memref<2x200x64xf32, #tpu.memory_space<hbm>> -> memref<1x200x64xf32, #tpu.memory_space<hbm>>
        %dma_wait3A_145 = tpu.memref_squeeze %dma_wait3A_144 : memref<1x200x64xf32, #tpu.memory_space<hbm>> -> memref<200x64xf32, #tpu.memory_space<hbm>>
        tpu.wait_dma2 semaphore(%run_scoped3A : memref<!tpu.dma_semaphore, #tpu.memory_space<semaphore_mem>>) src(%arg10 : memref<200x64xf32, #tpu.memory_space<vmem_shared>>) dst(%dma_wait3A_145 : memref<200x64xf32, #tpu.memory_space<hbm>>)
        tpu.yield
      }) : () -> ()
    } else {
    }
    return
  }
}

</mosaic_0001>

<sc_bundles>
// kernel: kernel.3.cloned.1.call-start
scs
__scs_entry_jumppad:
0x0: {  	(pc) =	sbr.rel $0x88, $3  }
0x1: {  	(tag) =	ssettag $0x0;
	lr =	simm.s32 $0x1  }
0x2: {  	[smem:$0x3F9F] =	sst lr;
	_ =	strace $0xD0000000  }
0x3: {  	_ = 	snop  }
0x4: {  	_ = 	snop  }
0x5: {  	_ = 	snop  }
0x6: {  	_ = 	snop  }
0x7: {  	_ = 	snop  }
__scs_overlays_trampoline_lowered:
0x8: {  	[smem:$0x3FAE] =	sst s0  }
0x9: {  	[smem:$0x3FAF] =	sst s1  }
0xa: {  	[smem:$0x3FB0] =	sst s2  }
0xb: {  	[smem:$0x3FB1] =	sst s3  }
0xc: {  	[smem:$0x3FB2] =	sst s4  }
0xd: {  	[smem:$0x3FB3] =	sst s5  }
0xe: {  	[smem:$0x3FB4] =	sst s6  }
0xf: {  	[smem:$0x3FB5] =	sst s7  }
0x10: {  	[smem:$0x3FB6] =	sst s8  }
0x11: {  	[smem:$0x3FB7] =	sst s9;
	s0 =	simm.s32 @!p0 $0x0  }
0x12: {  	s1 =	sld [smem:$0x3F9D];
	s0 =	simm.s32 @p0 $0x1  }
0x13: {  	[smem:$0x3FB8] =	sst s0;
	s0 =	simm.s32 @!p1 $0x0  }
0x14: {  	s2 =	sld [smem:$0x3F9C];
	s0 =	simm.s32 @p1 $0x1  }
0x15: {  	[smem:$0x3FB9] =	sst s0;
	s0 =	simm.s32 @!p2 $0x0  }
0x16: {  	s3 =	sld [smem:$0x3FDB];
	s0 =	simm.s32 @p2 $0x1  }
0x17: {  	s4 =	simm.s32 $0x1BF5;
	[smem:$0x3FBB] =	sst s0  }
0x18: {  	s0 =	sld [smem:$0x3F9E];
	_ =	swait.ge [sflag:s4], $0x0  }
0x19: {  	s7 =	sld [smem:$0x3F9F]  }
0x1a: {  	s8 =	sadd.s32 $0xFFFFE003, lr  }
0x1b: {  	s9 =	sadd.s32 $0xFFFFFEF7, lr;
	s5 =	simm.s32 $0xFFFFFFFF;
	p2 =	slt.u32 s8, $0xFFFFF086  }
0x1c: {  	p1 =	slt.u32 s9, $0xF7A;
	s5 =	simm.s32 @!p2 $0x0  }
0x1d: {  	s5 =	simm.s32 @p1 $0x1;
	p0 =	seq.s32 s7, s2  }
0x1e: {  	s7 =	smul.u32 @!p0 $0xF7A, s2;
	p2 =	seq.s32 @!p0 s5, $0x0  }
0x1f: {  	s9 =	smul.u32 $0xF7A, s1;
	s8 =	simm.s32 @!p0 $0x1BF5;
	p2 =	por !p2, p0  }
0x20: {  	[sflag:s8] =	ssyncset.s32 @!p0 $0xFFFFF086;
	s6 =	sadd.s32 @!p0 s3, s7;
	s7 =	simm.s32 @!p0 $0x108  }
0x21: {  	s3 =	sadd.s32 s3, s9;
	s6 =	sadd.s32 @!p0 $0x88, s6;
	s7 =	simm.s32 @p2 $0x1082  }
0x22: {  	[simem:s7], [sflag:s8] =	dma.local @!p0 [hbm:s6], $0xF7A  }
0x23: {  	s9 =	sor.u32 $0xD0000000, s2;
	s6 =	simm.s32 $0x108;
	_ =	swait.ge @!p0 [sflag:s8], $0x0  }
0x24: {  	s3 =	sadd.s32 $0x88, s3;
	s6 =	simm.s32 @!p1 $0x1082;
	[sflag:s4] =	ssyncset.s32 $0xFFFFF086  }
0x25: {  	[simem:s6], [sflag:s4] =	dma.local [hbm:s3], $0xF7A  }
0x26: {  	[smem:$0x3F9F] =	sst s1;
	(tag) =	ssettag s2;
	_ =	strace s9  }
0x27: {  	s1 =	sld [smem:$0x3FAF]  }
0x28: {  	s2 =	sld [smem:$0x3FB0]  }
0x29: {  	s4 =	sld [smem:$0x3FB2]  }
0x2a: {  	p0 =	seq.s32 s5, $0x0;
	s5 =	sld [smem:$0x3FB3]  }
0x2b: {  	s6 =	sld [smem:$0x3FB4]  }
0x2c: {  	s7 =	sld [smem:$0x3FB5]  }
0x2d: {  	s3 =	simm.s32 $0x108;
	s8 =	sld [smem:$0x3FB6]  }
0x2e: {  	s3 =	simm.s32 @!p0 $0x1082;
	s9 =	sld [smem:$0x3FB7]  }
0x2f: {  	lr =	sadd.s32 s0, s3;
	s0 =	sld [smem:$0x3FAE]  }
0x30: {  	s3 =	sld [smem:$0x3FB1]  }
0x31: {  	[smem:$0x3FBA] =	sst s10  }
0x32: {  	s10 =	sld [smem:$0x3FB8];
	_ =	sdelay $0x3  }
0x33: {  	p0 =	seq.s32 s10, $0x1;
	s10 =	sld [smem:$0x3FBA];
	_ =	sdelay $0x3  }
0x34: {  	[smem:$0x3FBA] =	sst s10  }
0x35: {  	s10 =	sld [smem:$0x3FB9];
	_ =	sdelay $0x3  }
0x36: {  	p1 =	seq.s32 s10, $0x1;
	s10 =	sld [smem:$0x3FBA];
	_ =	sdelay $0x3  }
0x37: {  	[smem:$0x3FBA] =	sst s10  }
0x38: {  	s10 =	sld [smem:$0x3FBB]  }
0x39: {  	_ = 	snop;
	(pc) =	sbr.ind lr, $3  }
0x3a: {  	_ = 	snop  }
0x3b: {  	_ = 	snop  }
0x3c: {  	p2 =	seq.s32 s10, $0x1;
	s10 =	sld [smem:$0x3FBA]  }
0x3d: {  	_ =	shalt  }
0x3e: {  	_ =	shalt  }
0x3f: {  	_ =	shalt  }
0x40: {  	_ =	shalt  }
0x41: {  	_ =	shalt  }
0x42: {  	_ =	shalt  }
0x43: {  	_ =	shalt  }
0x44: {  	_ =	shalt  }
0x45: {  	_ =	shalt  }
0x46: {  	_ =	shalt  }
0x47: {  	_ =	shalt  }
0x48: {  	_ =	shalt  }
0x49: {  	_ =	shalt  }
0x4a: {  	_ =	shalt  }
0x4b: {  	_ =	shalt  }
0x4c: {  	_ =	shalt  }
0x4d: {  	_ =	shalt  }
0x4e: {  	_ =	shalt  }
0x4f: {  	_ =	shalt  }
0x50: {  	_ =	shalt  }
0x51: {  	_ =	shalt  }
0x52: {  	_ =	shalt  }
0x53: {  	_ =	shalt  }
0x54: {  	_ =	shalt  }
0x55: {  	_ =	shalt  }
0x56: {  	_ =	shalt  }
0x57: {  	_ =	shalt  }
0x58: {  	_ =	shalt  }
0x59: {  	_ =	shalt  }
0x5a: {  	_ =	shalt  }
0x5b: {  	_ =	shalt  }
0x5c: {  	_ =	shalt  }
0x5d: {  	_ =	shalt  }
0x5e: {  	_ =	shalt  }
0x5f: {  	_ =	shalt  }
0x60: {  	_ =	shalt  }
0x61: {  	_ =	shalt  }
0x62: {  	_ =	shalt  }
0x63: {  	_ =	shalt  }
0x64: {  	_ =	shalt  }
0x65: {  	_ =	shalt  }
0x66: {  	_ =	shalt  }
0x67: {  	_ =	shalt  }
0x68: {  	_ =	shalt  }
0x69: {  	_ =	shalt  }
0x6a: {  	_ =	shalt  }
0x6b: {  	_ =	shalt  }
0x6c: {  	_ =	shalt  }
0x6d: {  	_ =	shalt  }
0x6e: {  	_ =	shalt  }
0x6f: {  	_ =	shalt  }
0x70: {  	_ =	shalt  }
0x71: {  	_ =	shalt  }
0x72: {  	_ =	shalt  }
0x73: {  	_ =	shalt  }
0x74: {  	_ =	shalt  }
0x75: {  	_ =	shalt  }
0x76: {  	_ =	shalt  }
0x77: {  	_ =	shalt  }
0x78: {  	_ =	shalt  }
0x79: {  	_ =	shalt  }
0x7a: {  	_ =	shalt  }
0x7b: {  	_ =	shalt  }
0x7c: {  	_ =	shalt  }
0x7d: {  	_ =	shalt  }
0x7e: {  	_ =	shalt  }
0x7f: {  	_ =	shalt  }
0x80: {  	_ =	shalt  }
0x81: {  	_ =	shalt  }
0x82: {  	_ =	shalt  }
0x83: {  	_ =	shalt  }
0x84: {  	_ =	shalt  }
0x85: {  	_ =	shalt  }
0x86: {  	_ =	shalt  }
0x87: {  	_ =	shalt  }
.Lfunc_end0:
.L_simem_size_0:
called_computation_lowered:
.L_overlay_start_0:
0x88: {  	s2 =	sld [smem:$0x3FD9]  }
0x89: {  	s3 =	sld [smem:$0x3FFE];
	_ =	sdelay $0x1  }
0x8a: {  	s1 =	srdreg.scid  }
0x8b: {  	s0 =	sand.u32 $0x1, s1  }
0x8c: {  	s16 =	sshll.u32 s0, $0xA;
	s2 =	sadd.s32 s3, s2  }
0x8d: {  	s2 =	sadd.s32 s2, s16  }
0x8e: {  	[smem:$0x3FC6] =	sst s2  }
0x8f: {  	_ = 	snop  }
0x90: {  	(tm) =	ssettm $0x1  }
0x91: {  	s17 =	sld [smem:$0x3FFB];
	_ =	sdelay $0x3  }
0x92: {  	_ =	strace s17  }
0x93: {  	s2 =	sld [smem:$0x3FFC];
	_ =	sdelay $0x3  }
0x94: {  	_ =	strace s2  }
0x95: {  	s2 =	sld [smem:$0x3FFD];
	_ =	sdelay $0x3  }
0x96: {  	_ =	strace s2  }
0x97: {  	_ =	strace $0x8FFFFFFF  }
0x98: {  	s18 =	sld [smem:$0x3FDB];
	_ =	sdelay $0x1  }
0x99: {  	s19 =	simm.s32 $_scs_section_size  }
0x9a: {  	s4 =	simm.s32 $_size__tile_overlayer_lowered;
	s5 =	simm.s32 $_tile_overlayer_lowered  }
0x9b: {  	s22 =	simm.s32 $0x1BFF;
	s21 =	sshll.u32 s5, $0x1;
	s2 =	sadd.s32 s19, s18  }
0x9c: {  	s6 =	simm.s32 $0x0;
	s20 =	sshll.u32 s4, $0x1;
	s4 =	sadd.s32 s21, s2  }
0x9d: {  	[timem:s6], [sflag:s22] =	dma.local [hbm:s4], s20  }
0x9e: {  	_ =	swait.ge [sflag:s22], s20  }
0x9f: {  	s3 =	ssub.s32 $0x0, s20;
	[sflag:s22] =	ssyncset.done $0x0  }
0xa0: {  	[sflag:s22] =	ssyncadd.s32 s3;
	_ =	sdelay $0x1  }
0xa1: {  	s23 =	simm.s32 $0x1B8B  }
0xa2: {  	_ =	swait.ge [sflag:s23], $0x1  }
0xa3: {  	[sflag:s23] =	ssyncset.done $0x0  }
0xa4: {  	s25 =	simm.s32 $0x1B8E;
	s24 =	sld [smem:$0x3FFE];
	[sflag:s23] =	ssyncadd.s32 $0xFFFFFFFF  }
0xa5: {  	s26 =	simm.s32 $execute0_lowered;
	[smem:$0x3FD2] =	sst s25  }
0xa6: {  	s4 =	sshll.u32 s26, $0x1;
	_ =	strace $0x80000046;
	[dreg:$0x1] =	wrdreg $0xFFFFFFFF  }
0xa7: {  	s28 =	simm.s32 $_size_execute0_lowered;
	s2 =	sadd.s32 s2, s4;
	[dreg:$0x0] =	wrdreg $0x0  }
0xa8: {  	s4 =	sshll.u32 s28, $0x1;
	[dreg:$0x2] =	wrdreg s2  }
0xa9: {  	[dreg:$0x3] =	wrdreg s4  }
0xaa: {  	[dreg:$0x4] =	wrdreg $0xC0  }
0xab: {  	_ =	task [dreg:s6], $0x5FFFF  }
0xac: {  	[dreg:$0x1] =	wrdreg $0xFFFFFFFF  }
0xad: {  	[dreg:$0x0] =	wrdreg $0x60  }
0xae: {  	[dreg:$0x2] =	wrdreg s24  }
0xaf: {  	[dreg:$0x3] =	wrdreg $0x13AD00  }
0xb0: {  	[dreg:$0x4] =	wrdreg $0x9  }
0xb1: {  	_ =	task.clear_ibuf [dreg:s6], $0x5FFFF;
	_ =	strace $0x90000046  }
0xb2: {  	s29 =	simm.s32 $0x9;
	_ =	strace $0x80000048  }
0xb3: {  	_ =	swait.ge [sflag:s29], $0x1  }
0xb4: {  	[sflag:s29] =	ssyncadd.s32 $0xFFFFFFFF  }
0xb5: {  	_ =	strace $0x90000048  }
0xb6: {  	_ =	sfence  }
0xb7: {  	s30 =	sld [smem:$0x0];
	_ =	sdelay $0x2  }
0xb8: {  	s31 =	sshll.u32 s1, $0xD;
	s1 =	sshrl.u32 s1, $0x2  }
0xb9: {  	s3 =	sand.u32 $0x4000, s31;
	s1 =	sadd.s32 s1, s30  }
0xba: {  	s0 =	sor.u32 s3, s0;
	s1 =	sshll.u32 s1, $0x11  }
0xbb: {  	s0 =	sor.u32 s1, s0  }
0xbc: {  	s0 =	sadd.s32 $0x8F2B, s0  }
0xbd: {  	[sflag:s0] =	ssyncadd.remote.s32 $0x1  }
0xbe: {  	_ =	sfence.sel $0xFFFF  }
0xbf: {  	[dreg:$0x0] =	wrdreg $0xFFFFFFFF;
	(pc) =	sbr.abs _section_cstart, $3  }
0xc0: {  	[dreg:$0x1] =	wrdreg $0xFFFFFFFF  }
0xc1: {  	_ =	task.clear_ibuf [dreg:s6], $0x2FFFF;
	_ =	strace $0x9FFFFFFF  }
0xc2: {  	(tm) =	ssettm $0x7FFFFFFF  }
0xc3: {  	_ =	shalt  }
tec
execute0_lowered:
.L_overlay_start_1:
0x0: {  	(tag) =	ssettag $0x1  }
0x1: {  	s1 =	srdreg.scid;
	s5 =	rddreg [dreg:$0x0]  }
0x2: {  	s0 =	stileid.u32;
	s2 =	rddreg [dreg:$0x1]  }
0x3: {  	s3 =	simm.s32 $0x0;
	s10 =	simm.s32 $0x6400;
	s11 =	simm.s32 $0xC800  }
0x4: {  	s12 =	simm.s32 $0xE800;
	s13 =	simm.s32 $0x1;
	s14 =	simm.s32 $0x2  }
0x5: {  	s15 =	simm.s32 $0x0;
	s4 =	sand.u32 $0x1, s1;
	s31 =	sshll.u32 s0, $0x1  }
0x6: {  	v0 =	vlaneseq.u32;
	s1 =	rddreg [dreg:$0x2];
	s6 =	sor.u32 s4, s31;
	s7 =	smul.u32 $0x640, s4  }
0x7: {  	[smem:$0x7FF] =	sst s3;
	v1 =	vor.u32 $0x10, v0;
	v2 =	vor.u32 $0x20, v0;
	p0 =	seq.s32 s0, $0x0;
	s6 =	smul.u32 $0xC80, s6  }
0x8: {  	v3 =	vor.u32 $0x30, v0;
	v4 =	vor.u32 $0x40, v0;
	v5 =	vor.u32 $0x50, v0;
	s8 =	ssub.s32 $0x2, s4;
	_ =	strace $0x80000047;
	s4 =	sadd.s32 $0x187000, s5  }
0x9: {  	v6 =	vadd.s32 $0x54, v0;
	v7 =	vadd.s32 $0x64, v0;
	v8 =	vadd.s32 $0x74, v0;
	s9 =	sshrl.u32 s8, $0x1;
	s7 =	sadd.s32 s7, s5;
	s6 =	sadd.s32 s6, s5  }
0xa: {  	v9 =	vadd.s32 $0x84, v0;
	v10 =	vadd.s32 $0x94, v0;
	v11 =	vadd.s32 $0xA4, v0;
	s8 =	ssub.s32 s8, s9;
	s9 =	simm.s32 $0x80;
	s5 =	sadd.s32 $0x600, s6  }
0xb: {  	v12 =	vadd.s32 $0xB4, v0;
	v13 =	vadd.s32 $0xB8, v0;
	v14 =	vmul.u32 $0xC8, v0;
	s6 =	sadd.s32 $0x19600, s7;
	s7 =	smax.u32 s8, $0x1;
	s8 =	simm.s32 $0x3  }
.LBB2_1:
0xc: {  	[tilespmem:s3], [sflag:$0x3] =	stream.linear.gather [hbm4b:s5+s3], $0x6400, $0x38;
	[tilespmem:$0x13DF0] =	vst v63  }
0xd: {  	_ =	swait.ge [sflag:s8], $0x6400  }
0xe: {  	[sflag:s8] =	ssyncset.done $0x0  }
0xf: {  	[sflag:s8] =	ssyncadd.s32 $0xFFFF9C00  }
0x10: {  	[tilespmem:$0x13A00] =	vst v0  }
0x11: {  	[tilespmem:$0x13A10] =	vst v1  }
0x12: {  	[tilespmem:$0x13A20] =	vst v2  }
0x13: {  	[tilespmem:$0x13A30] =	vst v3  }
0x14: {  	[tilespmem:$0x13A40] =	vst v4  }
0x15: {  	[tilespmem:$0x13A50] =	vst v5  }
0x16: {  	[tilespmem:$0x13A68] =	vst v7  }
0x17: {  	[tilespmem:$0x13A78] =	vst v8  }
0x18: {  	[tilespmem:$0x13A88] =	vst v9  }
0x19: {  	v15 =	vadd.s32 s3, v14;
	[tilespmem:$0x13A98] =	vst v10  }
0x1a: {  	[tilespmem:$0x13AA8] =	vst v11  }
0x1b: {  	[tilespmem:$0x13AB8] =	vst v12  }
0x1c: {  	[tilespmem:$0x13A54] =	vst v6  }
0x1d: {  	[tilespmem:$0x13ABC] =	vst v13  }
0x1e: {  	s16 =	simm.s32 $0xC80;
	v15 =	vld.idx.msk [tilespmem:v15+s3+$0x0], $0xffff  }
0x1f: {  	v16 =	vadd.s32 s16, v14;
	_ =	sdelay $0x2  }
0x20: {  	s16 =	simm.s32 $0x6440  }
0x21: {  	[tilespmem:s16+$0xFFFFFFC0] =	vst v15  }
0x22: {  	s17 =	simm.s32 $0x1900;
	v15 =	vld.idx.msk [tilespmem:v16+s3+$0x0], $0xffff  }
0x23: {  	v16 =	vadd.s32 s17, v14;
	_ =	sdelay $0x3  }
0x24: {  	[tilespmem:s16+$0xFFFFFFD0] =	vst v15  }
0x25: {  	s26 =	simm.s32 $0x2580;
	v15 =	vld.idx.msk [tilespmem:v16+s3+$0x0], $0xffff  }
0x26: {  	v16 =	vadd.s32 s26, v14;
	_ =	sdelay $0x3  }
0x27: {  	[tilespmem:s16+$0xFFFFFFE0] =	vst v15  }
0x28: {  	s28 =	simm.s32 $0x3200;
	v15 =	vld.idx.msk [tilespmem:v16+s3+$0x0], $0xffff  }
0x29: {  	v16 =	vadd.s32 s28, v14;
	_ =	sdelay $0x3  }
0x2a: {  	[tilespmem:s16+$0xFFFFFFF0] =	vst v15  }
0x2b: {  	s29 =	simm.s32 $0x3E80;
	v15 =	vld.idx.msk [tilespmem:v16+s3+$0x0], $0xffff  }
0x2c: {  	v16 =	vadd.s32 s29, v14;
	_ =	sdelay $0x3  }
0x2d: {  	[tilespmem:s16+$0x0] =	vst v15  }
0x2e: {  	s30 =	simm.s32 $0x4B00;
	v15 =	vld.idx.msk [tilespmem:v16+s3+$0x0], $0xffff  }
0x2f: {  	v16 =	vadd.s32 s30, v14;
	_ =	sdelay $0x3  }
0x30: {  	[tilespmem:s16+$0x10] =	vst v15  }
0x31: {  	s31 =	simm.s32 $0x5780;
	v15 =	vld.idx.msk [tilespmem:v16+s3+$0x0], $0xffff  }
0x32: {  	v16 =	vadd.s32 s31, v14;
	_ =	sdelay $0x3  }
0x33: {  	[tilespmem:s16+$0x20] =	vst v15  }
0x34: {  	s17 =	simm.s32 $0x1;
	v15 =	vld.idx.msk [tilespmem:v16+s3+$0x0], $0xffff  }
0x35: {  	s18 =	simm.s32 $0x2;
	v16 =	vadd.s32 s17, v14  }
.LBB2_2:
0x36: {  	p1 =	sne.s32 s18, $0xC7;
	_ =	sdelay $0x2  }
0x37: {  	[tilespmem:s16+$0x30] =	vst v15  }
0x38: {  	v15 =	vld.idx.msk [tilespmem:v16+s3+$0x0], $0xffff  }
0x39: {  	s19 =	sadd.s32 $0xC80, s17  }
0x3a: {  	v16 =	vadd.s32 s19, v14;
	_ =	sdelay $0x2  }
0x3b: {  	s16 =	sadd.s32 $0x80, s16  }
0x3c: {  	[tilespmem:s16+$0xFFFFFFC0] =	vst v15  }
0x3d: {  	v15 =	vld.idx.msk [tilespmem:v16+s3+$0x0], $0xffff  }
0x3e: {  	s19 =	sadd.s32 $0x1900, s17  }
0x3f: {  	v16 =	vadd.s32 s19, v14;
	_ =	sdelay $0x3  }
0x40: {  	[tilespmem:s16+$0xFFFFFFD0] =	vst v15  }
0x41: {  	v15 =	vld.idx.msk [tilespmem:v16+s3+$0x0], $0xffff  }
0x42: {  	s19 =	sadd.s32 $0x2580, s17  }
0x43: {  	v16 =	vadd.s32 s19, v14;
	_ =	sdelay $0x3  }
0x44: {  	[tilespmem:s16+$0xFFFFFFE0] =	vst v15  }
0x45: {  	v15 =	vld.idx.msk [tilespmem:v16+s3+$0x0], $0xffff  }
0x46: {  	s19 =	sadd.s32 $0x3200, s17  }
0x47: {  	v16 =	vadd.s32 s19, v14;
	_ =	sdelay $0x3  }
0x48: {  	[tilespmem:s16+$0xFFFFFFF0] =	vst v15  }
0x49: {  	v15 =	vld.idx.msk [tilespmem:v16+s3+$0x0], $0xffff  }
0x4a: {  	s19 =	sadd.s32 $0x3E80, s17  }
0x4b: {  	v16 =	vadd.s32 s19, v14;
	_ =	sdelay $0x3  }
0x4c: {  	[tilespmem:s16+$0x0] =	vst v15  }
0x4d: {  	v15 =	vld.idx.msk [tilespmem:v16+s3+$0x0], $0xffff  }
0x4e: {  	s19 =	sadd.s32 $0x4B00, s17  }
0x4f: {  	v16 =	vadd.s32 s19, v14;
	_ =	sdelay $0x3  }
0x50: {  	[tilespmem:s16+$0x10] =	vst v15  }
0x51: {  	v15 =	vld.idx.msk [tilespmem:v16+s3+$0x0], $0xffff  }
0x52: {  	s19 =	sadd.s32 $0x5780, s17;
	s17 =	smov.u32 s18  }
0x53: {  	v16 =	vadd.s32 s19, v14;
	_ =	sdelay $0x2  }
.Ltmp0:
0x54: {  	(pc) =	sbr.rel @p1 .LBB2_2-.Ltmp0, $3  }
0x55: {  	[tilespmem:s16+$0x20] =	vst v15  }
0x56: {  	v15 =	vld.idx.msk [tilespmem:v16+s3+$0x0], $0xffff;
	_ =	sdelay $0x1  }
0x57: {  	s18 =	sadd.s32 $0x1, s18;
	v16 =	vadd.s32 s17, v14  }
0x58: {  	_ =	sdelay $0x2  }
0x59: {  	[tilespmem:s16+$0x30] =	vst v15  }
0x5a: {  	s18 =	sadd.s32 $0xC80, s17;
	v15 =	vld.idx.msk [tilespmem:v16+s3+$0x0], $0xffff  }
0x5b: {  	v57 =	vadd.s32 s18, v14;
	_ =	sdelay $0x2  }
0x5c: {  	s24 =	sadd.s32 $0x80, s16  }
0x5d: {  	[tilespmem:s24+$0xFFFFFFC0] =	vst v15  }
0x5e: {  	s25 =	sadd.s32 $0x1900, s17;
	v15 =	vld.idx.msk [tilespmem:v57+s3+$0x0], $0xffff  }
0x5f: {  	v58 =	vadd.s32 s25, v14;
	_ =	sdelay $0x3  }
0x60: {  	[tilespmem:s24+$0xFFFFFFD0] =	vst v15  }
0x61: {  	s26 =	sadd.s32 $0x2580, s17;
	v15 =	vld.idx.msk [tilespmem:v58+s3+$0x0], $0xffff  }
0x62: {  	v59 =	vadd.s32 s26, v14;
	_ =	sdelay $0x3  }
0x63: {  	[tilespmem:s24+$0xFFFFFFE0] =	vst v15  }
0x64: {  	s28 =	sadd.s32 $0x3200, s17;
	v15 =	vld.idx.msk [tilespmem:v59+s3+$0x0], $0xffff  }
0x65: {  	v60 =	vadd.s32 s28, v14;
	_ =	sdelay $0x3  }
0x66: {  	[tilespmem:s24+$0xFFFFFFF0] =	vst v15  }
0x67: {  	s29 =	sadd.s32 $0x3E80, s17;
	v15 =	vld.idx.msk [tilespmem:v60+s3+$0x0], $0xffff  }
0x68: {  	v61 =	vadd.s32 s29, v14;
	_ =	sdelay $0x3  }
0x69: {  	[tilespmem:s24+$0x0] =	vst v15  }
0x6a: {  	s30 =	sadd.s32 $0x4B00, s17;
	v15 =	vld.idx.msk [tilespmem:v61+s3+$0x0], $0xffff  }
0x6b: {  	v62 =	vadd.s32 s30, v14;
	_ =	sdelay $0x3  }
0x6c: {  	[tilespmem:s24+$0x10] =	vst v15  }
0x6d: {  	s31 =	sadd.s32 $0x5780, s17;
	v15 =	vld.idx.msk [tilespmem:v62+s3+$0x0], $0xffff  }
0x6e: {  	v63 =	vadd.s32 s31, v14;
	_ =	sdelay $0x3  }
0x6f: {  	[tilespmem:s24+$0x20] =	vst v15  }
0x70: {  	v15 =	vld.idx.msk [tilespmem:v63+s3+$0x0], $0xffff;
	_ =	sdelay $0x4  }
0x71: {  	s16 =	simm.s32 $0x0;
	[tilespmem:s24+$0x30] =	vst v15  }
0x72: {  	[tilespmem:s11], [sflag:$0x1] =	stream.indirect.gather [hbm4b:s4+s9], $0x40, s10, s9, $0xb8;
	[tilespmem:$0x13DF0] =	vst v63  }
.LBB2_4:
0x73: {  	s17 =	sshllo.u32 s16, $0x1  }
0x74: {  	s18 =	sshll.u32 s17, $0x7  }
0x75: {  	s18 =	sand.u32 $0x3FFFFF80, s18  }
0x76: {  	s18 =	sadd.s32 $0x6400, s18  }
0x77: {  	[tilespmem:s12], [sflag:$0x2] =	stream.indirect.gather [hbm4b:s4+s9], $0x40, s18, s9, $0xb8;
	[tilespmem:$0x13DF0] =	vst v63  }
0x78: {  	_ =	swait.ge [sflag:s13], $0x2000  }
0x79: {  	[sflag:s13] =	ssyncset.done $0x0  }
0x7a: {  	s19 =	simm.s32 $0xC900;
	[sflag:s13] =	ssyncadd.s32 $0xFFFFE000  }
0x7b: {  	v15 =	vld [tilespmem:s19+$0xC0]  }
0x7c: {  	v16 =	vld [tilespmem:s19+$0xD0]  }
0x7d: {  	v17 =	vld [tilespmem:s19+$0x80]  }
0x7e: {  	v18 =	vld [tilespmem:s19+$0x90]  }
0x7f: {  	v24 =	vld [tilespmem:s19+$0x40]  }
0x80: {  	v27 =	vld [tilespmem:s19+$0x50]  }
0x81: {  	v22 =	vld [tilespmem:s19+$0x0]  }
0x82: {  	v23 =	vld [tilespmem:s19+$0x10]  }
0x83: {  	v20 =	vld [tilespmem:s19+$0xFFFFFFC0]  }
0x84: {  	v21 =	vld [tilespmem:s19+$0xFFFFFFD0]  }
0x85: {  	v19 =	vld [tilespmem:s19+$0xFFFFFF80]  }
0x86: {  	v25 =	vld [tilespmem:s19+$0xFFFFFF90]  }
0x87: {  	v26 =	vld [tilespmem:s19+$0xFFFFFF40]  }
0x88: {  	v28 =	vld [tilespmem:s19+$0xFFFFFF50]  }
0x89: {  	v29 =	vld [tilespmem:s19+$0xFFFFFF00]  }
0x8a: {  	v30 =	vld [tilespmem:s19+$0xFFFFFF10]  }
0x8b: {  	v31 =	vld [tilespmem:s19+$0xFFFFFF20]  }
0x8c: {  	v32 =	vld [tilespmem:s19+$0xFFFFFF30]  }
0x8d: {  	v33 =	vld [tilespmem:s19+$0xFFFFFF60]  }
0x8e: {  	v34 =	vld [tilespmem:s19+$0xFFFFFF70]  }
0x8f: {  	v35 =	vimm.f32 $0.0e+00;
	v36 =	vld [tilespmem:s19+$0xFFFFFFA0]  }
0x90: {  	v37 =	vld [tilespmem:s19+$0xFFFFFFB0];
	v29 =	vadd.f32 v29, v35;
	v30 =	vadd.f32 v30, v35  }
0x91: {  	v61 =	vld [tilespmem:s19+$0xFFFFFFE0];
	v31 =	vadd.f32 v31, v35;
	v32 =	vadd.f32 v32, v35  }
0x92: {  	v26 =	vadd.f32 v26, v29;
	v28 =	vadd.f32 v28, v30;
	v29 =	vld [tilespmem:s19+$0xFFFFFFF0]  }
0x93: {  	v62 =	vld [tilespmem:s19+$0x20];
	v30 =	vadd.f32 v33, v31;
	v31 =	vadd.f32 v34, v32  }
0x94: {  	v26 =	vadd.f32 v19, v26;
	v25 =	vadd.f32 v25, v28;
	v28 =	vld [tilespmem:s19+$0x30]  }
0x95: {  	v30 =	vadd.f32 v36, v30;
	v31 =	vadd.f32 v37, v31;
	v19 =	vld [tilespmem:s19+$0x60]  }
0x96: {  	v26 =	vadd.f32 v20, v26;
	v25 =	vadd.f32 v21, v25;
	v21 =	vld [tilespmem:s19+$0x70]  }
0x97: {  	v30 =	vadd.f32 v61, v30;
	v20 =	vld [tilespmem:s19+$0xA0];
	v29 =	vadd.f32 v29, v31  }
0x98: {  	v31 =	vadd.f32 v22, v26;
	v63 =	vadd.f32 v23, v25;
	v23 =	vld [tilespmem:s19+$0xB0]  }
0x99: {  	v26 =	vadd.f32 v62, v30;
	v22 =	vld [tilespmem:s19+$0xE0];
	v25 =	vadd.f32 v28, v29  }
0x9a: {  	s18 =	simm.s32 $0x0;
	v28 =	vadd.f32 v24, v31;
	v27 =	vadd.f32 v27, v63;
	v24 =	vld [tilespmem:s19+$0xF0];
	s19 =	simm.s32 $0xCB00  }
.LBB2_5:
0x9b: {  	v29 =	vld [tilespmem:s19+$0xC0];
	v19 =	vadd.f32 v19, v26;
	v21 =	vadd.f32 v21, v25  }
0x9c: {  	v25 =	vld [tilespmem:s19+$0xD0];
	v26 =	vadd.f32 v17, v28;
	v27 =	vadd.f32 v18, v27  }
0x9d: {  	v17 =	vld [tilespmem:s19+$0x80];
	v19 =	vadd.f32 v20, v19;
	v20 =	vadd.f32 v23, v21  }
0x9e: {  	v18 =	vld [tilespmem:s19+$0x90];
	v21 =	vadd.f32 v15, v26;
	v23 =	vadd.f32 v16, v27  }
0x9f: {  	v27 =	vld [tilespmem:s19+$0x40];
	v19 =	vadd.f32 v22, v19;
	v20 =	vadd.f32 v24, v20  }
0xa0: {  	v24 =	vld [tilespmem:s19+$0x50];
	v15 =	vmov v29  }
0xa1: {  	v22 =	vld [tilespmem:s19+$0x0];
	v16 =	vmov v25  }
0xa2: {  	v25 =	vld [tilespmem:s19+$0x10]  }
0xa3: {  	v26 =	vld [tilespmem:s19+$0xFFFFFFC0]  }
0xa4: {  	v28 =	vld [tilespmem:s19+$0xFFFFFFD0]  }
0xa5: {  	v29 =	vld [tilespmem:s19+$0xFFFFFF80]  }
0xa6: {  	v30 =	vld [tilespmem:s19+$0xFFFFFF90]  }
0xa7: {  	v31 =	vld [tilespmem:s19+$0xFFFFFF40]  }
0xa8: {  	v32 =	vld [tilespmem:s19+$0xFFFFFF50]  }
0xa9: {  	v33 =	vld [tilespmem:s19+$0xFFFFFF00]  }
0xaa: {  	v34 =	vld [tilespmem:s19+$0xFFFFFF10]  }
0xab: {  	v35 =	vld [tilespmem:s19+$0xFFFFFF20]  }
0xac: {  	s18 =	sadd.s32 $0x8, s18;
	v36 =	vld [tilespmem:s19+$0xFFFFFF30]  }
0xad: {  	p1 =	slt.u32 s18, $0x78;
	v37 =	vld [tilespmem:s19+$0xFFFFFF60]  }
0xae: {  	v38 =	vld [tilespmem:s19+$0xFFFFFF70]  }
0xaf: {  	v39 =	vld [tilespmem:s19+$0xFFFFFFA0]  }
0xb0: {  	v21 =	vadd.f32 v33, v21;
	v23 =	vadd.f32 v34, v23;
	v33 =	vld [tilespmem:s19+$0xFFFFFFB0]  }
0xb1: {  	v19 =	vadd.f32 v35, v19;
	v20 =	vadd.f32 v36, v20;
	v34 =	vld [tilespmem:s19+$0xFFFFFFE0]  }
0xb2: {  	v21 =	vadd.f32 v31, v21;
	v23 =	vadd.f32 v32, v23;
	v31 =	vld [tilespmem:s19+$0xFFFFFFF0]  }
0xb3: {  	v19 =	vadd.f32 v37, v19;
	v20 =	vadd.f32 v38, v20;
	v32 =	vld [tilespmem:s19+$0x20]  }
0xb4: {  	v21 =	vadd.f32 v29, v21;
	v23 =	vadd.f32 v30, v23;
	v29 =	vld [tilespmem:s19+$0x30]  }
0xb5: {  	v30 =	vadd.f32 v39, v19;
	v20 =	vadd.f32 v33, v20;
	v19 =	vld [tilespmem:s19+$0x60]  }
.Ltmp1:
0xb6: {  	v26 =	vadd.f32 v26, v21;
	v23 =	vadd.f32 v28, v23;
	v21 =	vld [tilespmem:s19+$0x70];
	(pc) =	sbr.rel @p1 .LBB2_5-.Ltmp1, $4  }
0xb7: {  	v28 =	vadd.f32 v34, v30;
	v30 =	vadd.f32 v31, v20;
	v20 =	vld [tilespmem:s19+$0xA0]  }
0xb8: {  	v31 =	vadd.f32 v22, v26;
	v33 =	vadd.f32 v25, v23;
	v23 =	vld [tilespmem:s19+$0xB0]  }
0xb9: {  	v26 =	vadd.f32 v32, v28;
	v25 =	vadd.f32 v29, v30;
	v22 =	vld [tilespmem:s19+$0xE0]  }
0xba: {  	v28 =	vadd.f32 v27, v31;
	v27 =	vadd.f32 v24, v33;
	v24 =	vld [tilespmem:s19+$0xF0];
	s19 =	sadd.s32 $0x200, s19  }
0xbb: {  	_ = 	snop  }
0xbc: {  	v19 =	vadd.f32 v19, v26;
	v17 =	vadd.f32 v17, v28  }
0xbd: {  	v21 =	vadd.f32 v21, v25;
	v18 =	vadd.f32 v18, v27  }
0xbe: {  	v19 =	vadd.f32 v20, v19;
	v15 =	vadd.f32 v15, v17  }
0xbf: {  	v17 =	vadd.f32 v23, v21;
	v16 =	vadd.f32 v16, v18  }
0xc0: {  	s18 =	sshll.u32 s16, $0x7;
	v18 =	vadd.f32 v22, v19;
	v15 =	vmul.f32 $2.441406250e-04, v15  }
0xc1: {  	s18 =	sand.u32 $0x3FFFFF80, s18;
	v17 =	vadd.f32 v24, v17;
	v16 =	vmul.f32 $2.441406250e-04, v16  }
0xc2: {  	p1 =	seq.s32 s16, $0x63;
	[tilespmem:s18+$0x10800] =	vst v15;
	v15 =	vmul.f32 $2.441406250e-04, v18  }
0xc3: {  	s19 =	sshll.u32 @!p1 s16, $0x8;
	[tilespmem:s18+$0x10810] =	vst v16;
	v16 =	vmul.f32 $2.441406250e-04, v17  }
0xc4: {  	s19 =	sand.u32 @!p1 $0x3FFFFF00, s19;
	[tilespmem:s18+$0x10820] =	vst v15  }
0xc5: {  	s20 =	simm.s32 @!p1 $0xC800;
	[tilespmem:s18+$0x10830] =	vst v16;
	s18 =	sadd.s32 @!p1 $0x6500, s19;
	s19 =	simm.s32 @!p1 $0x80  }
0xc6: {  	[tilespmem:s20], [sflag:$0x1] =	stream.indirect.gather @!p1 [hbm4b:s4+s19], $0x40, s18, s19, $0xb8;
	[tilespmem:$0x13DF0] =	vst v63  }
0xc7: {  	_ =	swait.ge [sflag:s14], $0x2000  }
0xc8: {  	[sflag:s14] =	ssyncset.done $0x0  }
0xc9: {  	s31 =	simm.s32 $0xE9F0;
	[sflag:s14] =	ssyncadd.s32 $0xFFFFE000  }
0xca: {  	v15 =	vld [tilespmem:s31+$0xFFFFFFD0]  }
0xcb: {  	v16 =	vld [tilespmem:s31+$0xFFFFFFE0]  }
0xcc: {  	v17 =	vld [tilespmem:s31+$0xFFFFFF90]  }
0xcd: {  	v18 =	vld [tilespmem:s31+$0xFFFFFFA0]  }
0xce: {  	v24 =	vld [tilespmem:s31+$0xFFFFFF50]  }
0xcf: {  	v27 =	vld [tilespmem:s31+$0xFFFFFF60]  }
0xd0: {  	v22 =	vld [tilespmem:s31+$0xFFFFFF10]  }
0xd1: {  	v23 =	vld [tilespmem:s31+$0xFFFFFF20]  }
0xd2: {  	v20 =	vld [tilespmem:s31+$0xFFFFFED0]  }
0xd3: {  	v21 =	vld [tilespmem:s31+$0xFFFFFEE0]  }
0xd4: {  	v19 =	vld [tilespmem:s31+$0xFFFFFE90]  }
0xd5: {  	v25 =	vld [tilespmem:s31+$0xFFFFFEA0]  }
0xd6: {  	v26 =	vld [tilespmem:s31+$0xFFFFFE50]  }
0xd7: {  	v28 =	vld [tilespmem:s31+$0xFFFFFE60]  }
0xd8: {  	v29 =	vld [tilespmem:s31+$0xFFFFFE10]  }
0xd9: {  	v30 =	vld [tilespmem:s31+$0xFFFFFE20]  }
0xda: {  	v31 =	vld [tilespmem:s31+$0xFFFFFE30]  }
0xdb: {  	v32 =	vld [tilespmem:s31+$0xFFFFFE40]  }
0xdc: {  	v33 =	vld [tilespmem:s31+$0xFFFFFE70]  }
0xdd: {  	v34 =	vld [tilespmem:s31+$0xFFFFFE80]  }
0xde: {  	v35 =	vimm.f32 $0.0e+00;
	v36 =	vld [tilespmem:s31+$0xFFFFFEB0]  }
0xdf: {  	v37 =	vld [tilespmem:s31+$0xFFFFFEC0];
	v29 =	vadd.f32 v29, v35;
	v30 =	vadd.f32 v30, v35  }
0xe0: {  	v61 =	vld [tilespmem:s31+$0xFFFFFEF0];
	v31 =	vadd.f32 v31, v35;
	v32 =	vadd.f32 v32, v35  }
0xe1: {  	v26 =	vadd.f32 v26, v29;
	v28 =	vadd.f32 v28, v30;
	v29 =	vld [tilespmem:s31+$0xFFFFFF00]  }
0xe2: {  	v62 =	vld [tilespmem:s31+$0xFFFFFF30];
	v30 =	vadd.f32 v33, v31;
	v31 =	vadd.f32 v34, v32  }
0xe3: {  	v26 =	vadd.f32 v19, v26;
	v25 =	vadd.f32 v25, v28;
	v28 =	vld [tilespmem:s31+$0xFFFFFF40]  }
0xe4: {  	v30 =	vadd.f32 v36, v30;
	v31 =	vadd.f32 v37, v31;
	v19 =	vld [tilespmem:s31+$0xFFFFFF70]  }
0xe5: {  	v26 =	vadd.f32 v20, v26;
	v25 =	vadd.f32 v21, v25;
	v21 =	vld [tilespmem:s31+$0xFFFFFF80]  }
0xe6: {  	v30 =	vadd.f32 v61, v30;
	v20 =	vld [tilespmem:s31+$0xFFFFFFB0];
	v29 =	vadd.f32 v29, v31  }
0xe7: {  	v31 =	vadd.f32 v22, v26;
	v63 =	vadd.f32 v23, v25;
	v23 =	vld [tilespmem:s31+$0xFFFFFFC0]  }
0xe8: {  	v26 =	vadd.f32 v62, v30;
	v22 =	vld [tilespmem:s31+$0xFFFFFFF0];
	v25 =	vadd.f32 v28, v29  }
0xe9: {  	s18 =	simm.s32 $0x0;
	s19 =	simm.s32 $0xEBF0;
	v28 =	vadd.f32 v24, v31;
	v27 =	vadd.f32 v27, v63;
	v24 =	vld [tilespmem:s31+$0x0]  }
.LBB2_7:
0xea: {  	v29 =	vld [tilespmem:s19+$0xFFFFFFD0];
	v19 =	vadd.f32 v19, v26;
	v21 =	vadd.f32 v21, v25  }
0xeb: {  	v25 =	vld [tilespmem:s19+$0xFFFFFFE0];
	v26 =	vadd.f32 v17, v28;
	v27 =	vadd.f32 v18, v27  }
0xec: {  	v17 =	vld [tilespmem:s19+$0xFFFFFF90];
	v19 =	vadd.f32 v20, v19;
	v20 =	vadd.f32 v23, v21  }
0xed: {  	v18 =	vld [tilespmem:s19+$0xFFFFFFA0];
	v21 =	vadd.f32 v15, v26;
	v23 =	vadd.f32 v16, v27  }
0xee: {  	v27 =	vld [tilespmem:s19+$0xFFFFFF50];
	v19 =	vadd.f32 v22, v19;
	v20 =	vadd.f32 v24, v20  }
0xef: {  	v24 =	vld [tilespmem:s19+$0xFFFFFF60];
	v15 =	vmov v29  }
0xf0: {  	v22 =	vld [tilespmem:s19+$0xFFFFFF10];
	v16 =	vmov v25  }
0xf1: {  	v25 =	vld [tilespmem:s19+$0xFFFFFF20]  }
0xf2: {  	v26 =	vld [tilespmem:s19+$0xFFFFFED0]  }
0xf3: {  	v28 =	vld [tilespmem:s19+$0xFFFFFEE0]  }
0xf4: {  	v29 =	vld [tilespmem:s19+$0xFFFFFE90]  }
0xf5: {  	v30 =	vld [tilespmem:s19+$0xFFFFFEA0]  }
0xf6: {  	v31 =	vld [tilespmem:s19+$0xFFFFFE50]  }
0xf7: {  	v32 =	vld [tilespmem:s19+$0xFFFFFE60]  }
0xf8: {  	v33 =	vld [tilespmem:s19+$0xFFFFFE10]  }
0xf9: {  	v34 =	vld [tilespmem:s19+$0xFFFFFE20]  }
0xfa: {  	v35 =	vld [tilespmem:s19+$0xFFFFFE30]  }
0xfb: {  	s18 =	sadd.s32 $0x8, s18;
	v36 =	vld [tilespmem:s19+$0xFFFFFE40]  }
0xfc: {  	p1 =	slt.u32 s18, $0x78;
	v37 =	vld [tilespmem:s19+$0xFFFFFE70]  }
0xfd: {  	v38 =	vld [tilespmem:s19+$0xFFFFFE80]  }
0xfe: {  	v39 =	vld [tilespmem:s19+$0xFFFFFEB0]  }
0xff: {  	v21 =	vadd.f32 v33, v21;
	v23 =	vadd.f32 v34, v23;
	v33 =	vld [tilespmem:s19+$0xFFFFFEC0]  }
0x100: {  	v19 =	vadd.f32 v35, v19;
	v20 =	vadd.f32 v36, v20;
	v34 =	vld [tilespmem:s19+$0xFFFFFEF0]  }
0x101: {  	v21 =	vadd.f32 v31, v21;
	v23 =	vadd.f32 v32, v23;
	v31 =	vld [tilespmem:s19+$0xFFFFFF00]  }
0x102: {  	v19 =	vadd.f32 v37, v19;
	v20 =	vadd.f32 v38, v20;
	v32 =	vld [tilespmem:s19+$0xFFFFFF30]  }
0x103: {  	v21 =	vadd.f32 v29, v21;
	v23 =	vadd.f32 v30, v23;
	v29 =	vld [tilespmem:s19+$0xFFFFFF40]  }
0x104: {  	v30 =	vadd.f32 v39, v19;
	v20 =	vadd.f32 v33, v20;
	v19 =	vld [tilespmem:s19+$0xFFFFFF70]  }
.Ltmp2:
0x105: {  	v26 =	vadd.f32 v26, v21;
	v23 =	vadd.f32 v28, v23;
	v21 =	vld [tilespmem:s19+$0xFFFFFF80];
	(pc) =	sbr.rel @p1 .LBB2_7-.Ltmp2, $4  }
0x106: {  	v28 =	vadd.f32 v34, v30;
	v30 =	vadd.f32 v31, v20;
	v20 =	vld [tilespmem:s19+$0xFFFFFFB0]  }
0x107: {  	v31 =	vadd.f32 v22, v26;
	v33 =	vadd.f32 v25, v23;
	v23 =	vld [tilespmem:s19+$0xFFFFFFC0]  }
0x108: {  	v26 =	vadd.f32 v32, v28;
	v25 =	vadd.f32 v29, v30;
	v22 =	vld [tilespmem:s19+$0xFFFFFFF0]  }
0x109: {  	v28 =	vadd.f32 v27, v31;
	v27 =	vadd.f32 v24, v33;
	v24 =	vld [tilespmem:s19+$0x0];
	s19 =	sadd.s32 $0x200, s19  }
0x10a: {  	_ = 	snop  }
0x10b: {  	v21 =	vadd.f32 v21, v25;
	v17 =	vadd.f32 v17, v28  }
0x10c: {  	v19 =	vadd.f32 v19, v26;
	v18 =	vadd.f32 v18, v27  }
0x10d: {  	v61 =	vadd.f32 v23, v21;
	v15 =	vadd.f32 v15, v17  }
0x10e: {  	s16 =	sadd.s32 $0x1, s16;
	v19 =	vadd.f32 v20, v19;
	v16 =	vadd.f32 v16, v18  }
0x10f: {  	s17 =	sshll.u32 s17, $0x6;
	p1 =	sne.s32 s16, $0x64;
	v17 =	vadd.f32 v24, v61;
	v15 =	vmul.f32 $2.441406250e-04, v15  }
.Ltmp3:
0x110: {  	s17 =	sand.u32 $0x3FFFFFC0, s17;
	v62 =	vadd.f32 v22, v19;
	v16 =	vmul.f32 $2.441406250e-04, v16;
	(pc) =	sbr.rel @p1 .LBB2_4-.Ltmp3, $4  }
0x111: {  	v63 =	vmul.f32 $2.441406250e-04, v17;
	[tilespmem:s17+$0x10800] =	vst v15  }
0x112: {  	v15 =	vmul.f32 $2.441406250e-04, v62;
	[tilespmem:s17+$0x10810] =	vst v16  }
0x113: {  	[tilespmem:s17+$0x10830] =	vst v63  }
0x114: {  	[tilespmem:s17+$0x10820] =	vst v15  }
0x115: {  	s16 =	simm.s32 @p0 $0x10800  }
0x116: {  	[spmem:s2] =	stream.linear.scatter @p0 [tilespmem:s16], [sflag:$0x3], $0x3200, $0x38;
	[tilespmem:$0x13DF0] =	vst v63  }
0x117: {  	s16 =	simm.s32 @p0 $0x3  }
0x118: {  	_ =	swait.ge @p0 [sflag:s16], $0x3200  }
0x119: {  	[sflag:s16] =	ssyncset.done @p0 $0x0  }
0x11a: {  	[sflag:s16] =	ssyncadd.s32 @p0 $0xFFFFCE00  }
0x11b: {  	[bflag:$0x0] =	sbarrier.arrive @p0 $0xFFFF  }
0x11c: {  	s17 =	sshrl.u32 @p0 s2, $0x3;
	s18 =	simm.s32 @p0 $0x1C03;
	[bflag:$0x0] =	sbarrier.arrive @p0 $0xFFFF  }
0x11d: {  	[hbm:s6], [sflag:s18] =	dma.local @p0 [spmem:s17], $0x640  }
0x11e: {  	_ =	swait.ge @p0 [sflag:s16], $0x640  }
0x11f: {  	[sflag:s16] =	ssyncset.done @p0 $0x0  }
0x120: {  	s17 =	simm.s32 @!p0 $0x13A00;
	[sflag:s16] =	ssyncadd.s32 @p0 $0xFFFFF9C0  }
0x121: {  	s18 =	simm.s32 @!p0 $0x10800;
	s16 =	simm.s32 @!p0 $0x64;
	[bflag:$0x0] =	sbarrier.arrive @!p0 $0xFFFF  }
0x122: {  	[spmem:s2] =	stream.indirect.scatter.add.f32 @!p0 [tilespmem:s18], [sflag:$0x3], $0x40, s17, s16, $0xb8;
	[tilespmem:$0x13DF0] =	vst v63  }
0x123: {  	s17 =	simm.s32 @!p0 $0x3  }
0x124: {  	_ =	swait.ge @!p0 [sflag:s17], $0x1900  }
0x125: {  	s19 =	simm.s32 @!p0 $0x12100;
	s15 =	sadd.s32 $0x1, s15;
	[sflag:s17] =	ssyncset.done @!p0 $0x0  }
0x126: {  	p1 =	sne.s32 s15, s7;
	s18 =	simm.s32 @!p0 $0x13A68;
	[sflag:s17] =	ssyncadd.s32 @!p0 $0xFFFFE700  }
0x127: {  	[spmem:s2] =	stream.indirect.scatter.add.f32 @!p0 [tilespmem:s19], [sflag:$0x3], $0x40, s18, s16, $0xb8;
	[tilespmem:$0x13DF0] =	vst v63  }
.Ltmp4:
0x128: {  	_ =	swait.ge @!p0 [sflag:s17], $0x1900;
	(pc) =	sbr.rel @p1 .LBB2_1-.Ltmp4, $3  }
0x129: {  	[sflag:s17] =	ssyncset.done @!p0 $0x0  }
0x12a: {  	[sflag:s17] =	ssyncadd.s32 @!p0 $0xFFFFE700  }
0x12b: {  	[bflag:$0x0] =	sbarrier.arrive @!p0 $0xFFFF;
	_ =	sdelay $0x1  }
0x12c: {  	_ =	sfence.sel $0x180000  }
0x12d: {  	[bflag:$0x0] =	sbarrier.arrive $0xFFFF  }
0x12e: {  	p0 =	sne.s32 s0, $0x0;
	_ =	strace $0x90000047  }
0x12f: {  	s0 =	sadd.s32 @!p0 $0x100000, s1;
	[bflag:$0x2] =	sbarrier.arrive $0xFFFF  }
0x130: {  	[sflag:s0] =	ssyncadd.tile.s32 @!p0 $0x1;
	_ =	shalt  }
.Lfunc_end2:
_tile_overlayer_lowered:
.L_overlay_start_2:
0x131: {  	(tag) =	ssettag $0x2  }
0x132: {  	s0 =	rddreg [dreg:$0x0];
	s2 =	stileid.u32  }
0x133: {  	s1 =	rddreg [dreg:$0x1];
	p0 =	sne.s32 s2, $0x0  }
0x134: {  	s3 =	rddreg [dreg:$0x2];
	[bflag:$0x3] =	sbarrier.arrive $0xFFFF;
	s2 =	simm.s32 @!p0 $0x1C03  }
0x135: {  	[timem:s3], [sflag:s2] =	dma.local @!p0 [hbm:s0], s1  }
0x136: {  	s0 =	simm.s32 @!p0 $0x3  }
0x137: {  	_ =	swait.ge @!p0 [sflag:s0], s1  }
0x138: {  	s1 =	ssub.s32 @!p0 $0x0, s1;
	[sflag:s0] =	ssyncset.done @!p0 $0x0  }
0x139: {  	[sflag:s0] =	ssyncadd.s32 @!p0 s1  }
0x13a: {  	[bflag:$0x3] =	sbarrier.arrive $0xFFFF  }
0x13b: {  	_ =	shalt  }

</sc_bundles>
